<compile_context>
chip_gen: v7x
topology: tpu7x:2x2x1
jax: 0.10.2.dev20260603
libtpu: 0.0.44.dev20260713+nightly
codegen_flags: <defaults>
</compile_context>

<pallas_src>
import functools

import jax
import jax.numpy as jnp
from jax import lax
from jax.experimental import pallas as pl
from jax.experimental.pallas import tpu as pltpu
from jax.experimental.pallas import tpu_sc as plsc

_VOCAB = 1000000
_EMB = 32
_SEQ = 200
_BATCH = 4096
_NW = 32
_BPW = _BATCH // _NW
_RB = 8192


def _tv_body(t_ref, w_ref, b_ref, o_ref):
    tb = t_ref[...].astype(jnp.bfloat16)
    d = lax.dot_general(w_ref[...], tb, (((1,), (1,)), ((), ())),
                        preferred_element_type=jnp.float32)
    o_ref[...] = d[0] + b_ref[0]


def _compute_tv(table, w, fc_b):
    return pl.pallas_call(
        _tv_body,
        grid=(pl.cdiv(_VOCAB, _RB),),
        in_specs=[
            pl.BlockSpec((_RB, _EMB), lambda i: (i, 0)),
            pl.BlockSpec((4, _EMB), lambda i: (0, 0)),
            pl.BlockSpec(memory_space=pltpu.SMEM),
        ],
        out_specs=pl.BlockSpec((_RB,), lambda i: (i,)),
        out_shape=jax.ShapeDtypeStruct((_VOCAB,), jnp.float32),
    )(table, w, fc_b)


_CH = 20

_mesh = plsc.VectorSubcoreMesh(core_axis_name="c", subcore_axis_name="s")


@functools.partial(
    pl.kernel,
    out_type=jax.ShapeDtypeStruct((_BATCH,), jnp.float32),
    mesh=_mesh,
    scratch_types=[
        pltpu.VMEM((_SEQ, _BPW), jnp.int32),
        pltpu.VMEM((_SEQ, _BPW), jnp.float32),
        pltpu.VMEM((_BPW,), jnp.float32),
        pltpu.SemaphoreType.DMA,
    ],
)
def _sc_pool(text_hbm, tv_hbm, out_hbm, idx_v, val_v, res_v, sem):
    wid = lax.axis_index("s") * 2 + lax.axis_index("c")
    base = wid * _BPW
    pltpu.sync_copy(text_hbm.at[:, pl.ds(base, _BPW)], idx_v)

    @pl.loop(0, _SEQ, step=_CH)
    def _gather(s0):
        cps = [
            pltpu.async_copy(tv_hbm.at[idx_v.at[s0 + j]], val_v.at[s0 + j], sem)
            for j in range(_CH)
        ]
        for cp in cps:
            cp.wait()

    def _acc_body(s, accs):
        return tuple(accs[j] + val_v[s, pl.ds(j * 16, 16)] for j in range(8))

    accs = lax.fori_loop(
        0, _SEQ, _acc_body,
        tuple(jnp.zeros((16,), jnp.float32) for _ in range(8)),
    )
    for j in range(8):
        res_v[pl.ds(j * 16, 16)] = accs[j] * (1.0 / _SEQ)
    pltpu.sync_copy(res_v, out_hbm.at[pl.ds(base, _BPW)])


def kernel(text, table, fc_w, fc_b):
    w = jnp.broadcast_to(fc_w.reshape(1, _EMB), (4, _EMB)).astype(jnp.bfloat16)
    tv = _compute_tv(table, w, fc_b)
    out = _sc_pool(text, tv)
    return out.reshape(_BATCH, 1)

# --- scband reference (transcript-rebuilt; emitter-appended) ---
"""Pipeline reference for scband-fast-rnn-70265664962789 (READ-ONLY COPY).

The authoritative reference and input builder live on the scoring server;
editing this copy changes nothing except your own understanding.
"""

import jax, jax.numpy as jnp
import numpy as np

VOCAB = 1000000
EMB = 32
OUT = 1
PAD = 0
SEQ = 200
BATCH = 4096


def setup_inputs(seed: int = 0) -> dict:
    key = jax.random.key(seed)
    k1, k2, k3 = jax.random.split(key, 3)
    text = jax.random.randint(k1, (SEQ, BATCH), 0, VOCAB)
    table = jax.random.normal(k2, (VOCAB, EMB), dtype=jnp.float32)
    table = table.at[PAD].set(0.0)  # padding_idx row is zero
    fc_w = jax.random.normal(k3, (OUT, EMB), dtype=jnp.float32) * 0.05
    fc_b = jnp.zeros((OUT,), dtype=jnp.float32)
    return {"text": text, "table": table, "fc_w": fc_w, "fc_b": fc_b}


def reference(text, table, fc_w, fc_b):
    # embedded = self.embedding(text) -> [SEQ, BATCH, EMB]
    embedded = jnp.take(table, text, axis=0)
    # embedded.permute(1, 0, 2) -> [BATCH, SEQ, EMB]
    embedded = jnp.transpose(embedded, (1, 0, 2))
    # F.avg_pool2d(embedded, (SEQ, 1)).squeeze(1) -> mean over seq dim -> [BATCH, EMB]
    pooled = jnp.mean(embedded, axis=1)
    # self.fc(pooled) -> [BATCH, OUT]
    return pooled @ fc_w.T + fc_b

if __name__ == "__main__":
    import jax
    _d = setup_inputs()
    print(jax.jit(kernel)(*tuple(_d.values())))

</pallas_src>

<mosaic_0001>
#map = affine_map<(d0, d1) -> (0, 0)>
#map1 = affine_map<(d0, d1) -> (0)>
module attributes {stable_mosaic.version = 14 : i64} {
  func.func @_sc_pool(%arg0: i32, %arg1: i32, %arg2: memref<200x4096xi32, #tpu.memory_space<hbm>>, %arg3: memref<1000000xf32, #tpu.memory_space<hbm>>, %arg4: memref<4096xf32, #tpu.memory_space<hbm>>, %arg5: memref<200x128xi32, #tpu.memory_space<vmem>>, %arg6: memref<200x128xf32, #tpu.memory_space<vmem>>, %arg7: memref<128xf32, #tpu.memory_space<vmem>>, %arg8: memref<!tpu.dma_semaphore, #tpu.memory_space<semaphore_mem>>) attributes {dimension_semantics = [#tpu.dimension_semantics<core_parallel>, #tpu.dimension_semantics<subcore_parallel>], iteration_bounds = array<i64: 2, 16>, scalar_prefetch = 0 : i64, scratch_operands = 4 : i64, tpu.core_type = #tpu.core_type<sc_vector_subcore>, window_params = [{transform_indices = #map}, {transform_indices = #map1}, {transform_indices = #map1}]} {
    %mul3A = arith.constant 2 : i32
    %mul3A_0 = arith.muli %arg1, %mul3A : i32
    %add3A = arith.addi %mul3A_0, %arg0 : i32
    %mul3A_1 = arith.constant 128 : i32
    %mul3A_2 = arith.muli %add3A, %mul3A_1 : i32
    "tpu.region"() ({
      %run_scoped3A = tpu.sem_alloc : memref<!tpu.dma_semaphore, #tpu.memory_space<semaphore_mem>>
      %dma_start3A = arith.constant 0 : i32
      %dma_start3A_83 = tpu.memref_slice %arg2[%dma_start3A, %mul3A_2] : memref<200x4096xi32, #tpu.memory_space<hbm>> -> memref<200x128xi32, #tpu.memory_space<hbm>>
      %dma_start3A_84 = arith.constant 0 : i32
      %dma_start3A_85 = tpu.memref_slice %arg2[%dma_start3A_84, %mul3A_2] : memref<200x4096xi32, #tpu.memory_space<hbm>> -> memref<200x128xi32, #tpu.memory_space<hbm>>
      tpu.enqueue_dma source(%dma_start3A_85 : memref<200x128xi32, #tpu.memory_space<hbm>>) target(%arg5 : memref<200x128xi32, #tpu.memory_space<vmem>>) target_semaphore(%run_scoped3A : memref<!tpu.dma_semaphore, #tpu.memory_space<semaphore_mem>>)
      %dma_wait3A = arith.constant 0 : i32
      %dma_wait3A_86 = tpu.memref_slice %arg2[%dma_wait3A, %mul3A_2] : memref<200x4096xi32, #tpu.memory_space<hbm>> -> memref<200x128xi32, #tpu.memory_space<hbm>>
      %dma_wait3A_87 = arith.constant 0 : i32
      %dma_wait3A_88 = tpu.memref_slice %arg2[%dma_wait3A_87, %mul3A_2] : memref<200x4096xi32, #tpu.memory_space<hbm>> -> memref<200x128xi32, #tpu.memory_space<hbm>>
      tpu.wait_dma2 semaphore(%run_scoped3A : memref<!tpu.dma_semaphore, #tpu.memory_space<semaphore_mem>>) src(%dma_wait3A_88 : memref<200x128xi32, #tpu.memory_space<hbm>>) dst(%arg5 : memref<200x128xi32, #tpu.memory_space<vmem>>)
      tpu.yield
    }) : () -> ()
    %scan3A = arith.constant 0 : i32
    %scan3A_3 = arith.constant 10 : i32
    %scan3A_4 = arith.addi %scan3A, %scan3A_3 : i32
    %scan3A_5 = arith.constant 1 : i32
    scf.for %scan3A_83 = %scan3A to %scan3A_4 step %scan3A_5  : i32 {
      %mul3A_84 = arith.constant 20 : i32
      %mul3A_85 = arith.muli %scan3A_83, %mul3A_84 : i32
      %add3A_86 = arith.constant 0 : i32
      %add3A_87 = arith.addi %add3A_86, %mul3A_85 : i32
      %add3A_88 = arith.constant 0 : i32
      %add3A_89 = arith.addi %add3A_87, %add3A_88 : i32
      %add3A_90 = arith.constant 0 : i32
      %add3A_91 = arith.addi %add3A_87, %add3A_90 : i32
      %dma_start3A = arith.constant 0 : i32
      %dma_start3A_92 = tpu.memref_slice %arg6[%add3A_91, %dma_start3A] : memref<200x128xf32, #tpu.memory_space<vmem>> -> memref<1x128xf32, #tpu.memory_space<vmem>>
      %dma_start3A_93 = tpu.memref_squeeze %dma_start3A_92 : memref<1x128xf32, #tpu.memory_space<vmem>> -> memref<128xf32, #tpu.memory_space<vmem>>
      %dma_start3A_94 = arith.constant 0 : i32
      %dma_start3A_95 = tpu.memref_slice %arg5[%add3A_89, %dma_start3A_94] : memref<200x128xi32, #tpu.memory_space<vmem>> -> memref<1x128xi32, #tpu.memory_space<vmem>>
      %dma_start3A_96 = tpu.memref_squeeze %dma_start3A_95 : memref<1x128xi32, #tpu.memory_space<vmem>> -> memref<128xi32, #tpu.memory_space<vmem>>
      %dma_start3A_97 = arith.constant 0 : i32
      %dma_start3A_98 = tpu.memref_slice %arg3[%dma_start3A_97] : memref<1000000xf32, #tpu.memory_space<hbm>> -> memref<1000000xf32, #tpu.memory_space<hbm>>
      tpu.enqueue_indirect_dma source(%dma_start3A_98 : memref<1000000xf32, #tpu.memory_space<hbm>>) target(%dma_start3A_93 : memref<128xf32, #tpu.memory_space<vmem>>) offsets(%dma_start3A_96 : memref<128xi32, #tpu.memory_space<vmem>>) semaphore(%arg8 : memref<!tpu.dma_semaphore, #tpu.memory_space<semaphore_mem>>)
      %add3A_99 = arith.constant 1 : i32
      %add3A_100 = arith.addi %add3A_87, %add3A_99 : i32
      %add3A_101 = arith.constant 1 : i32
      %add3A_102 = arith.addi %add3A_87, %add3A_101 : i32
      %dma_start3A_103 = arith.constant 0 : i32
      %dma_start3A_104 = tpu.memref_slice %arg6[%add3A_102, %dma_start3A_103] : memref<200x128xf32, #tpu.memory_space<vmem>> -> memref<1x128xf32, #tpu.memory_space<vmem>>
      %dma_start3A_105 = tpu.memref_squeeze %dma_start3A_104 : memref<1x128xf32, #tpu.memory_space<vmem>> -> memref<128xf32, #tpu.memory_space<vmem>>
      %dma_start3A_106 = arith.constant 0 : i32
      %dma_start3A_107 = tpu.memref_slice %arg5[%add3A_100, %dma_start3A_106] : memref<200x128xi32, #tpu.memory_space<vmem>> -> memref<1x128xi32, #tpu.memory_space<vmem>>
      %dma_start3A_108 = tpu.memref_squeeze %dma_start3A_107 : memref<1x128xi32, #tpu.memory_space<vmem>> -> memref<128xi32, #tpu.memory_space<vmem>>
      %dma_start3A_109 = arith.constant 0 : i32
      %dma_start3A_110 = tpu.memref_slice %arg3[%dma_start3A_109] : memref<1000000xf32, #tpu.memory_space<hbm>> -> memref<1000000xf32, #tpu.memory_space<hbm>>
      tpu.enqueue_indirect_dma source(%dma_start3A_110 : memref<1000000xf32, #tpu.memory_space<hbm>>) target(%dma_start3A_105 : memref<128xf32, #tpu.memory_space<vmem>>) offsets(%dma_start3A_108 : memref<128xi32, #tpu.memory_space<vmem>>) semaphore(%arg8 : memref<!tpu.dma_semaphore, #tpu.memory_space<semaphore_mem>>)
      %add3A_111 = arith.constant 2 : i32
      %add3A_112 = arith.addi %add3A_87, %add3A_111 : i32
      %add3A_113 = arith.constant 2 : i32
      %add3A_114 = arith.addi %add3A_87, %add3A_113 : i32
      %dma_start3A_115 = arith.constant 0 : i32
      %dma_start3A_116 = tpu.memref_slice %arg6[%add3A_114, %dma_start3A_115] : memref<200x128xf32, #tpu.memory_space<vmem>> -> memref<1x128xf32, #tpu.memory_space<vmem>>
      %dma_start3A_117 = tpu.memref_squeeze %dma_start3A_116 : memref<1x128xf32, #tpu.memory_space<vmem>> -> memref<128xf32, #tpu.memory_space<vmem>>
      %dma_start3A_118 = arith.constant 0 : i32
      %dma_start3A_119 = tpu.memref_slice %arg5[%add3A_112, %dma_start3A_118] : memref<200x128xi32, #tpu.memory_space<vmem>> -> memref<1x128xi32, #tpu.memory_space<vmem>>
      %dma_start3A_120 = tpu.memref_squeeze %dma_start3A_119 : memref<1x128xi32, #tpu.memory_space<vmem>> -> memref<128xi32, #tpu.memory_space<vmem>>
      %dma_start3A_121 = arith.constant 0 : i32
      %dma_start3A_122 = tpu.memref_slice %arg3[%dma_start3A_121] : memref<1000000xf32, #tpu.memory_space<hbm>> -> memref<1000000xf32, #tpu.memory_space<hbm>>
      tpu.enqueue_indirect_dma source(%dma_start3A_122 : memref<1000000xf32, #tpu.memory_space<hbm>>) target(%dma_start3A_117 : memref<128xf32, #tpu.memory_space<vmem>>) offsets(%dma_start3A_120 : memref<128xi32, #tpu.memory_space<vmem>>) semaphore(%arg8 : memref<!tpu.dma_semaphore, #tpu.memory_space<semaphore_mem>>)
      %add3A_123 = arith.constant 3 : i32
      %add3A_124 = arith.addi %add3A_87, %add3A_123 : i32
      %add3A_125 = arith.constant 3 : i32
      %add3A_126 = arith.addi %add3A_87, %add3A_125 : i32
      %dma_start3A_127 = arith.constant 0 : i32
      %dma_start3A_128 = tpu.memref_slice %arg6[%add3A_126, %dma_start3A_127] : memref<200x128xf32, #tpu.memory_space<vmem>> -> memref<1x128xf32, #tpu.memory_space<vmem>>
      %dma_start3A_129 = tpu.memref_squeeze %dma_start3A_128 : memref<1x128xf32, #tpu.memory_space<vmem>> -> memref<128xf32, #tpu.memory_space<vmem>>
      %dma_start3A_130 = arith.constant 0 : i32
      %dma_start3A_131 = tpu.memref_slice %arg5[%add3A_124, %dma_start3A_130] : memref<200x128xi32, #tpu.memory_space<vmem>> -> memref<1x128xi32, #tpu.memory_space<vmem>>
      %dma_start3A_132 = tpu.memref_squeeze %dma_start3A_131 : memref<1x128xi32, #tpu.memory_space<vmem>> -> memref<128xi32, #tpu.memory_space<vmem>>
      %dma_start3A_133 = arith.constant 0 : i32
      %dma_start3A_134 = tpu.memref_slice %arg3[%dma_start3A_133] : memref<1000000xf32, #tpu.memory_space<hbm>> -> memref<1000000xf32, #tpu.memory_space<hbm>>
      tpu.enqueue_indirect_dma source(%dma_start3A_134 : memref<1000000xf32, #tpu.memory_space<hbm>>) target(%dma_start3A_129 : memref<128xf32, #tpu.memory_space<vmem>>) offsets(%dma_start3A_132 : memref<128xi32, #tpu.memory_space<vmem>>) semaphore(%arg8 : memref<!tpu.dma_semaphore, #tpu.memory_space<semaphore_mem>>)
      %add3A_135 = arith.constant 4 : i32
      %add3A_136 = arith.addi %add3A_87, %add3A_135 : i32
      %add3A_137 = arith.constant 4 : i32
      %add3A_138 = arith.addi %add3A_87, %add3A_137 : i32
      %dma_start3A_139 = arith.constant 0 : i32
      %dma_start3A_140 = tpu.memref_slice %arg6[%add3A_138, %dma_start3A_139] : memref<200x128xf32, #tpu.memory_space<vmem>> -> memref<1x128xf32, #tpu.memory_space<vmem>>
      %dma_start3A_141 = tpu.memref_squeeze %dma_start3A_140 : memref<1x128xf32, #tpu.memory_space<vmem>> -> memref<128xf32, #tpu.memory_space<vmem>>
      %dma_start3A_142 = arith.constant 0 : i32
      %dma_start3A_143 = tpu.memref_slice %arg5[%add3A_136, %dma_start3A_142] : memref<200x128xi32, #tpu.memory_space<vmem>> -> memref<1x128xi32, #tpu.memory_space<vmem>>
      %dma_start3A_144 = tpu.memref_squeeze %dma_start3A_143 : memref<1x128xi32, #tpu.memory_space<vmem>> -> memref<128xi32, #tpu.memory_space<vmem>>
      %dma_start3A_145 = arith.constant 0 : i32
      %dma_start3A_146 = tpu.memref_slice %arg3[%dma_start3A_145] : memref<1000000xf32, #tpu.memory_space<hbm>> -> memref<1000000xf32, #tpu.memory_space<hbm>>
      tpu.enqueue_indirect_dma source(%dma_start3A_146 : memref<1000000xf32, #tpu.memory_space<hbm>>) target(%dma_start3A_141 : memref<128xf32, #tpu.memory_space<vmem>>) offsets(%dma_start3A_144 : memref<128xi32, #tpu.memory_space<vmem>>) semaphore(%arg8 : memref<!tpu.dma_semaphore, #tpu.memory_space<semaphore_mem>>)
      %add3A_147 = arith.constant 5 : i32
      %add3A_148 = arith.addi %add3A_87, %add3A_147 : i32
      %add3A_149 = arith.constant 5 : i32
      %add3A_150 = arith.addi %add3A_87, %add3A_149 : i32
      %dma_start3A_151 = arith.constant 0 : i32
      %dma_start3A_152 = tpu.memref_slice %arg6[%add3A_150, %dma_start3A_151] : memref<200x128xf32, #tpu.memory_space<vmem>> -> memref<1x128xf32, #tpu.memory_space<vmem>>
      %dma_start3A_153 = tpu.memref_squeeze %dma_start3A_152 : memref<1x128xf32, #tpu.memory_space<vmem>> -> memref<128xf32, #tpu.memory_space<vmem>>
      %dma_start3A_154 = arith.constant 0 : i32
      %dma_start3A_155 = tpu.memref_slice %arg5[%add3A_148, %dma_start3A_154] : memref<200x128xi32, #tpu.memory_space<vmem>> -> memref<1x128xi32, #tpu.memory_space<vmem>>
      %dma_start3A_156 = tpu.memref_squeeze %dma_start3A_155 : memref<1x128xi32, #tpu.memory_space<vmem>> -> memref<128xi32, #tpu.memory_space<vmem>>
      %dma_start3A_157 = arith.constant 0 : i32
      %dma_start3A_158 = tpu.memref_slice %arg3[%dma_start3A_157] : memref<1000000xf32, #tpu.memory_space<hbm>> -> memref<1000000xf32, #tpu.memory_space<hbm>>
      tpu.enqueue_indirect_dma source(%dma_start3A_158 : memref<1000000xf32, #tpu.memory_space<hbm>>) target(%dma_start3A_153 : memref<128xf32, #tpu.memory_space<vmem>>) offsets(%dma_start3A_156 : memref<128xi32, #tpu.memory_space<vmem>>) semaphore(%arg8 : memref<!tpu.dma_semaphore, #tpu.memory_space<semaphore_mem>>)
      %add3A_159 = arith.constant 6 : i32
      %add3A_160 = arith.addi %add3A_87, %add3A_159 : i32
      %add3A_161 = arith.constant 6 : i32
      %add3A_162 = arith.addi %add3A_87, %add3A_161 : i32
      %dma_start3A_163 = arith.constant 0 : i32
      %dma_start3A_164 = tpu.memref_slice %arg6[%add3A_162, %dma_start3A_163] : memref<200x128xf32, #tpu.memory_space<vmem>> -> memref<1x128xf32, #tpu.memory_space<vmem>>
      %dma_start3A_165 = tpu.memref_squeeze %dma_start3A_164 : memref<1x128xf32, #tpu.memory_space<vmem>> -> memref<128xf32, #tpu.memory_space<vmem>>
      %dma_start3A_166 = arith.constant 0 : i32
      %dma_start3A_167 = tpu.memref_slice %arg5[%add3A_160, %dma_start3A_166] : memref<200x128xi32, #tpu.memory_space<vmem>> -> memref<1x128xi32, #tpu.memory_space<vmem>>
      %dma_start3A_168 = tpu.memref_squeeze %dma_start3A_167 : memref<1x128xi32, #tpu.memory_space<vmem>> -> memref<128xi32, #tpu.memory_space<vmem>>
      %dma_start3A_169 = arith.constant 0 : i32
      %dma_start3A_170 = tpu.memref_slice %arg3[%dma_start3A_169] : memref<1000000xf32, #tpu.memory_space<hbm>> -> memref<1000000xf32, #tpu.memory_space<hbm>>
      tpu.enqueue_indirect_dma source(%dma_start3A_170 : memref<1000000xf32, #tpu.memory_space<hbm>>) target(%dma_start3A_165 : memref<128xf32, #tpu.memory_space<vmem>>) offsets(%dma_start3A_168 : memref<128xi32, #tpu.memory_space<vmem>>) semaphore(%arg8 : memref<!tpu.dma_semaphore, #tpu.memory_space<semaphore_mem>>)
      %add3A_171 = arith.constant 7 : i32
      %add3A_172 = arith.addi %add3A_87, %add3A_171 : i32
      %add3A_173 = arith.constant 7 : i32
      %add3A_174 = arith.addi %add3A_87, %add3A_173 : i32
      %dma_start3A_175 = arith.constant 0 : i32
      %dma_start3A_176 = tpu.memref_slice %arg6[%add3A_174, %dma_start3A_175] : memref<200x128xf32, #tpu.memory_space<vmem>> -> memref<1x128xf32, #tpu.memory_space<vmem>>
      %dma_start3A_177 = tpu.memref_squeeze %dma_start3A_176 : memref<1x128xf32, #tpu.memory_space<vmem>> -> memref<128xf32, #tpu.memory_space<vmem>>
      %dma_start3A_178 = arith.constant 0 : i32
      %dma_start3A_179 = tpu.memref_slice %arg5[%add3A_172, %dma_start3A_178] : memref<200x128xi32, #tpu.memory_space<vmem>> -> memref<1x128xi32, #tpu.memory_space<vmem>>
      %dma_start3A_180 = tpu.memref_squeeze %dma_start3A_179 : memref<1x128xi32, #tpu.memory_space<vmem>> -> memref<128xi32, #tpu.memory_space<vmem>>
      %dma_start3A_181 = arith.constant 0 : i32
      %dma_start3A_182 = tpu.memref_slice %arg3[%dma_start3A_181] : memref<1000000xf32, #tpu.memory_space<hbm>> -> memref<1000000xf32, #tpu.memory_space<hbm>>
      tpu.enqueue_indirect_dma source(%dma_start3A_182 : memref<1000000xf32, #tpu.memory_space<hbm>>) target(%dma_start3A_177 : memref<128xf32, #tpu.memory_space<vmem>>) offsets(%dma_start3A_180 : memref<128xi32, #tpu.memory_space<vmem>>) semaphore(%arg8 : memref<!tpu.dma_semaphore, #tpu.memory_space<semaphore_mem>>)
      %add3A_183 = arith.constant 8 : i32
      %add3A_184 = arith.addi %add3A_87, %add3A_183 : i32
      %add3A_185 = arith.constant 8 : i32
      %add3A_186 = arith.addi %add3A_87, %add3A_185 : i32
      %dma_start3A_187 = arith.constant 0 : i32
      %dma_start3A_188 = tpu.memref_slice %arg6[%add3A_186, %dma_start3A_187] : memref<200x128xf32, #tpu.memory_space<vmem>> -> memref<1x128xf32, #tpu.memory_space<vmem>>
      %dma_start3A_189 = tpu.memref_squeeze %dma_start3A_188 : memref<1x128xf32, #tpu.memory_space<vmem>> -> memref<128xf32, #tpu.memory_space<vmem>>
      %dma_start3A_190 = arith.constant 0 : i32
      %dma_start3A_191 = tpu.memref_slice %arg5[%add3A_184, %dma_start3A_190] : memref<200x128xi32, #tpu.memory_space<vmem>> -> memref<1x128xi32, #tpu.memory_space<vmem>>
      %dma_start3A_192 = tpu.memref_squeeze %dma_start3A_191 : memref<1x128xi32, #tpu.memory_space<vmem>> -> memref<128xi32, #tpu.memory_space<vmem>>
      %dma_start3A_193 = arith.constant 0 : i32
      %dma_start3A_194 = tpu.memref_slice %arg3[%dma_start3A_193] : memref<1000000xf32, #tpu.memory_space<hbm>> -> memref<1000000xf32, #tpu.memory_space<hbm>>
      tpu.enqueue_indirect_dma source(%dma_start3A_194 : memref<1000000xf32, #tpu.memory_space<hbm>>) target(%dma_start3A_189 : memref<128xf32, #tpu.memory_space<vmem>>) offsets(%dma_start3A_192 : memref<128xi32, #tpu.memory_space<vmem>>) semaphore(%arg8 : memref<!tpu.dma_semaphore, #tpu.memory_space<semaphore_mem>>)
      %add3A_195 = arith.constant 9 : i32
      %add3A_196 = arith.addi %add3A_87, %add3A_195 : i32
      %add3A_197 = arith.constant 9 : i32
      %add3A_198 = arith.addi %add3A_87, %add3A_197 : i32
      %dma_start3A_199 = arith.constant 0 : i32
      %dma_start3A_200 = tpu.memref_slice %arg6[%add3A_198, %dma_start3A_199] : memref<200x128xf32, #tpu.memory_space<vmem>> -> memref<1x128xf32, #tpu.memory_space<vmem>>
      %dma_start3A_201 = tpu.memref_squeeze %dma_start3A_200 : memref<1x128xf32, #tpu.memory_space<vmem>> -> memref<128xf32, #tpu.memory_space<vmem>>
      %dma_start3A_202 = arith.constant 0 : i32
      %dma_start3A_203 = tpu.memref_slice %arg5[%add3A_196, %dma_start3A_202] : memref<200x128xi32, #tpu.memory_space<vmem>> -> memref<1x128xi32, #tpu.memory_space<vmem>>
      %dma_start3A_204 = tpu.memref_squeeze %dma_start3A_203 : memref<1x128xi32, #tpu.memory_space<vmem>> -> memref<128xi32, #tpu.memory_space<vmem>>
      %dma_start3A_205 = arith.constant 0 : i32
      %dma_start3A_206 = tpu.memref_slice %arg3[%dma_start3A_205] : memref<1000000xf32, #tpu.memory_space<hbm>> -> memref<1000000xf32, #tpu.memory_space<hbm>>
      tpu.enqueue_indirect_dma source(%dma_start3A_206 : memref<1000000xf32, #tpu.memory_space<hbm>>) target(%dma_start3A_201 : memref<128xf32, #tpu.memory_space<vmem>>) offsets(%dma_start3A_204 : memref<128xi32, #tpu.memory_space<vmem>>) semaphore(%arg8 : memref<!tpu.dma_semaphore, #tpu.memory_space<semaphore_mem>>)
      %add3A_207 = arith.constant 10 : i32
      %add3A_208 = arith.addi %add3A_87, %add3A_207 : i32
      %add3A_209 = arith.constant 10 : i32
      %add3A_210 = arith.addi %add3A_87, %add3A_209 : i32
      %dma_start3A_211 = arith.constant 0 : i32
      %dma_start3A_212 = tpu.memref_slice %arg6[%add3A_210, %dma_start3A_211] : memref<200x128xf32, #tpu.memory_space<vmem>> -> memref<1x128xf32, #tpu.memory_space<vmem>>
      %dma_start3A_213 = tpu.memref_squeeze %dma_start3A_212 : memref<1x128xf32, #tpu.memory_space<vmem>> -> memref<128xf32, #tpu.memory_space<vmem>>
      %dma_start3A_214 = arith.constant 0 : i32
      %dma_start3A_215 = tpu.memref_slice %arg5[%add3A_208, %dma_start3A_214] : memref<200x128xi32, #tpu.memory_space<vmem>> -> memref<1x128xi32, #tpu.memory_space<vmem>>
      %dma_start3A_216 = tpu.memref_squeeze %dma_start3A_215 : memref<1x128xi32, #tpu.memory_space<vmem>> -> memref<128xi32, #tpu.memory_space<vmem>>
      %dma_start3A_217 = arith.constant 0 : i32
      %dma_start3A_218 = tpu.memref_slice %arg3[%dma_start3A_217] : memref<1000000xf32, #tpu.memory_space<hbm>> -> memref<1000000xf32, #tpu.memory_space<hbm>>
      tpu.enqueue_indirect_dma source(%dma_start3A_218 : memref<1000000xf32, #tpu.memory_space<hbm>>) target(%dma_start3A_213 : memref<128xf32, #tpu.memory_space<vmem>>) offsets(%dma_start3A_216 : memref<128xi32, #tpu.memory_space<vmem>>) semaphore(%arg8 : memref<!tpu.dma_semaphore, #tpu.memory_space<semaphore_mem>>)
      %add3A_219 = arith.constant 11 : i32
      %add3A_220 = arith.addi %add3A_87, %add3A_219 : i32
      %add3A_221 = arith.constant 11 : i32
      %add3A_222 = arith.addi %add3A_87, %add3A_221 : i32
      %dma_start3A_223 = arith.constant 0 : i32
      %dma_start3A_224 = tpu.memref_slice %arg6[%add3A_222, %dma_start3A_223] : memref<200x128xf32, #tpu.memory_space<vmem>> -> memref<1x128xf32, #tpu.memory_space<vmem>>
      %dma_start3A_225 = tpu.memref_squeeze %dma_start3A_224 : memref<1x128xf32, #tpu.memory_space<vmem>> -> memref<128xf32, #tpu.memory_space<vmem>>
      %dma_start3A_226 = arith.constant 0 : i32
      %dma_start3A_227 = tpu.memref_slice %arg5[%add3A_220, %dma_start3A_226] : memref<200x128xi32, #tpu.memory_space<vmem>> -> memref<1x128xi32, #tpu.memory_space<vmem>>
      %dma_start3A_228 = tpu.memref_squeeze %dma_start3A_227 : memref<1x128xi32, #tpu.memory_space<vmem>> -> memref<128xi32, #tpu.memory_space<vmem>>
      %dma_start3A_229 = arith.constant 0 : i32
      %dma_start3A_230 = tpu.memref_slice %arg3[%dma_start3A_229] : memref<1000000xf32, #tpu.memory_space<hbm>> -> memref<1000000xf32, #tpu.memory_space<hbm>>
      tpu.enqueue_indirect_dma source(%dma_start3A_230 : memref<1000000xf32, #tpu.memory_space<hbm>>) target(%dma_start3A_225 : memref<128xf32, #tpu.memory_space<vmem>>) offsets(%dma_start3A_228 : memref<128xi32, #tpu.memory_space<vmem>>) semaphore(%arg8 : memref<!tpu.dma_semaphore, #tpu.memory_space<semaphore_mem>>)
      %add3A_231 = arith.constant 12 : i32
      %add3A_232 = arith.addi %add3A_87, %add3A_231 : i32
      %add3A_233 = arith.constant 12 : i32
      %add3A_234 = arith.addi %add3A_87, %add3A_233 : i32
      %dma_start3A_235 = arith.constant 0 : i32
      %dma_start3A_236 = tpu.memref_slice %arg6[%add3A_234, %dma_start3A_235] : memref<200x128xf32, #tpu.memory_space<vmem>> -> memref<1x128xf32, #tpu.memory_space<vmem>>
      %dma_start3A_237 = tpu.memref_squeeze %dma_start3A_236 : memref<1x128xf32, #tpu.memory_space<vmem>> -> memref<128xf32, #tpu.memory_space<vmem>>
      %dma_start3A_238 = arith.constant 0 : i32
      %dma_start3A_239 = tpu.memref_slice %arg5[%add3A_232, %dma_start3A_238] : memref<200x128xi32, #tpu.memory_space<vmem>> -> memref<1x128xi32, #tpu.memory_space<vmem>>
      %dma_start3A_240 = tpu.memref_squeeze %dma_start3A_239 : memref<1x128xi32, #tpu.memory_space<vmem>> -> memref<128xi32, #tpu.memory_space<vmem>>
      %dma_start3A_241 = arith.constant 0 : i32
      %dma_start3A_242 = tpu.memref_slice %arg3[%dma_start3A_241] : memref<1000000xf32, #tpu.memory_space<hbm>> -> memref<1000000xf32, #tpu.memory_space<hbm>>
      tpu.enqueue_indirect_dma source(%dma_start3A_242 : memref<1000000xf32, #tpu.memory_space<hbm>>) target(%dma_start3A_237 : memref<128xf32, #tpu.memory_space<vmem>>) offsets(%dma_start3A_240 : memref<128xi32, #tpu.memory_space<vmem>>) semaphore(%arg8 : memref<!tpu.dma_semaphore, #tpu.memory_space<semaphore_mem>>)
      %add3A_243 = arith.constant 13 : i32
      %add3A_244 = arith.addi %add3A_87, %add3A_243 : i32
      %add3A_245 = arith.constant 13 : i32
      %add3A_246 = arith.addi %add3A_87, %add3A_245 : i32
      %dma_start3A_247 = arith.constant 0 : i32
      %dma_start3A_248 = tpu.memref_slice %arg6[%add3A_246, %dma_start3A_247] : memref<200x128xf32, #tpu.memory_space<vmem>> -> memref<1x128xf32, #tpu.memory_space<vmem>>
      %dma_start3A_249 = tpu.memref_squeeze %dma_start3A_248 : memref<1x128xf32, #tpu.memory_space<vmem>> -> memref<128xf32, #tpu.memory_space<vmem>>
      %dma_start3A_250 = arith.constant 0 : i32
      %dma_start3A_251 = tpu.memref_slice %arg5[%add3A_244, %dma_start3A_250] : memref<200x128xi32, #tpu.memory_space<vmem>> -> memref<1x128xi32, #tpu.memory_space<vmem>>
      %dma_start3A_252 = tpu.memref_squeeze %dma_start3A_251 : memref<1x128xi32, #tpu.memory_space<vmem>> -> memref<128xi32, #tpu.memory_space<vmem>>
      %dma_start3A_253 = arith.constant 0 : i32
      %dma_start3A_254 = tpu.memref_slice %arg3[%dma_start3A_253] : memref<1000000xf32, #tpu.memory_space<hbm>> -> memref<1000000xf32, #tpu.memory_space<hbm>>
      tpu.enqueue_indirect_dma source(%dma_start3A_254 : memref<1000000xf32, #tpu.memory_space<hbm>>) target(%dma_start3A_249 : memref<128xf32, #tpu.memory_space<vmem>>) offsets(%dma_start3A_252 : memref<128xi32, #tpu.memory_space<vmem>>) semaphore(%arg8 : memref<!tpu.dma_semaphore, #tpu.memory_space<semaphore_mem>>)
      %add3A_255 = arith.constant 14 : i32
      %add3A_256 = arith.addi %add3A_87, %add3A_255 : i32
      %add3A_257 = arith.constant 14 : i32
      %add3A_258 = arith.addi %add3A_87, %add3A_257 : i32
      %dma_start3A_259 = arith.constant 0 : i32
      %dma_start3A_260 = tpu.memref_slice %arg6[%add3A_258, %dma_start3A_259] : memref<200x128xf32, #tpu.memory_space<vmem>> -> memref<1x128xf32, #tpu.memory_space<vmem>>
      %dma_start3A_261 = tpu.memref_squeeze %dma_start3A_260 : memref<1x128xf32, #tpu.memory_space<vmem>> -> memref<128xf32, #tpu.memory_space<vmem>>
      %dma_start3A_262 = arith.constant 0 : i32
      %dma_start3A_263 = tpu.memref_slice %arg5[%add3A_256, %dma_start3A_262] : memref<200x128xi32, #tpu.memory_space<vmem>> -> memref<1x128xi32, #tpu.memory_space<vmem>>
      %dma_start3A_264 = tpu.memref_squeeze %dma_start3A_263 : memref<1x128xi32, #tpu.memory_space<vmem>> -> memref<128xi32, #tpu.memory_space<vmem>>
      %dma_start3A_265 = arith.constant 0 : i32
      %dma_start3A_266 = tpu.memref_slice %arg3[%dma_start3A_265] : memref<1000000xf32, #tpu.memory_space<hbm>> -> memref<1000000xf32, #tpu.memory_space<hbm>>
      tpu.enqueue_indirect_dma source(%dma_start3A_266 : memref<1000000xf32, #tpu.memory_space<hbm>>) target(%dma_start3A_261 : memref<128xf32, #tpu.memory_space<vmem>>) offsets(%dma_start3A_264 : memref<128xi32, #tpu.memory_space<vmem>>) semaphore(%arg8 : memref<!tpu.dma_semaphore, #tpu.memory_space<semaphore_mem>>)
      %add3A_267 = arith.constant 15 : i32
      %add3A_268 = arith.addi %add3A_87, %add3A_267 : i32
      %add3A_269 = arith.constant 15 : i32
      %add3A_270 = arith.addi %add3A_87, %add3A_269 : i32
      %dma_start3A_271 = arith.constant 0 : i32
      %dma_start3A_272 = tpu.memref_slice %arg6[%add3A_270, %dma_start3A_271] : memref<200x128xf32, #tpu.memory_space<vmem>> -> memref<1x128xf32, #tpu.memory_space<vmem>>
      %dma_start3A_273 = tpu.memref_squeeze %dma_start3A_272 : memref<1x128xf32, #tpu.memory_space<vmem>> -> memref<128xf32, #tpu.memory_space<vmem>>
      %dma_start3A_274 = arith.constant 0 : i32
      %dma_start3A_275 = tpu.memref_slice %arg5[%add3A_268, %dma_start3A_274] : memref<200x128xi32, #tpu.memory_space<vmem>> -> memref<1x128xi32, #tpu.memory_space<vmem>>
      %dma_start3A_276 = tpu.memref_squeeze %dma_start3A_275 : memref<1x128xi32, #tpu.memory_space<vmem>> -> memref<128xi32, #tpu.memory_space<vmem>>
      %dma_start3A_277 = arith.constant 0 : i32
      %dma_start3A_278 = tpu.memref_slice %arg3[%dma_start3A_277] : memref<1000000xf32, #tpu.memory_space<hbm>> -> memref<1000000xf32, #tpu.memory_space<hbm>>
      tpu.enqueue_indirect_dma source(%dma_start3A_278 : memref<1000000xf32, #tpu.memory_space<hbm>>) target(%dma_start3A_273 : memref<128xf32, #tpu.memory_space<vmem>>) offsets(%dma_start3A_276 : memref<128xi32, #tpu.memory_space<vmem>>) semaphore(%arg8 : memref<!tpu.dma_semaphore, #tpu.memory_space<semaphore_mem>>)
      %add3A_279 = arith.constant 16 : i32
      %add3A_280 = arith.addi %add3A_87, %add3A_279 : i32
      %add3A_281 = arith.constant 16 : i32
      %add3A_282 = arith.addi %add3A_87, %add3A_281 : i32
      %dma_start3A_283 = arith.constant 0 : i32
      %dma_start3A_284 = tpu.memref_slice %arg6[%add3A_282, %dma_start3A_283] : memref<200x128xf32, #tpu.memory_space<vmem>> -> memref<1x128xf32, #tpu.memory_space<vmem>>
      %dma_start3A_285 = tpu.memref_squeeze %dma_start3A_284 : memref<1x128xf32, #tpu.memory_space<vmem>> -> memref<128xf32, #tpu.memory_space<vmem>>
      %dma_start3A_286 = arith.constant 0 : i32
      %dma_start3A_287 = tpu.memref_slice %arg5[%add3A_280, %dma_start3A_286] : memref<200x128xi32, #tpu.memory_space<vmem>> -> memref<1x128xi32, #tpu.memory_space<vmem>>
      %dma_start3A_288 = tpu.memref_squeeze %dma_start3A_287 : memref<1x128xi32, #tpu.memory_space<vmem>> -> memref<128xi32, #tpu.memory_space<vmem>>
      %dma_start3A_289 = arith.constant 0 : i32
      %dma_start3A_290 = tpu.memref_slice %arg3[%dma_start3A_289] : memref<1000000xf32, #tpu.memory_space<hbm>> -> memref<1000000xf32, #tpu.memory_space<hbm>>
      tpu.enqueue_indirect_dma source(%dma_start3A_290 : memref<1000000xf32, #tpu.memory_space<hbm>>) target(%dma_start3A_285 : memref<128xf32, #tpu.memory_space<vmem>>) offsets(%dma_start3A_288 : memref<128xi32, #tpu.memory_space<vmem>>) semaphore(%arg8 : memref<!tpu.dma_semaphore, #tpu.memory_space<semaphore_mem>>)
      %add3A_291 = arith.constant 17 : i32
      %add3A_292 = arith.addi %add3A_87, %add3A_291 : i32
      %add3A_293 = arith.constant 17 : i32
      %add3A_294 = arith.addi %add3A_87, %add3A_293 : i32
      %dma_start3A_295 = arith.constant 0 : i32
      %dma_start3A_296 = tpu.memref_slice %arg6[%add3A_294, %dma_start3A_295] : memref<200x128xf32, #tpu.memory_space<vmem>> -> memref<1x128xf32, #tpu.memory_space<vmem>>
      %dma_start3A_297 = tpu.memref_squeeze %dma_start3A_296 : memref<1x128xf32, #tpu.memory_space<vmem>> -> memref<128xf32, #tpu.memory_space<vmem>>
      %dma_start3A_298 = arith.constant 0 : i32
      %dma_start3A_299 = tpu.memref_slice %arg5[%add3A_292, %dma_start3A_298] : memref<200x128xi32, #tpu.memory_space<vmem>> -> memref<1x128xi32, #tpu.memory_space<vmem>>
      %dma_start3A_300 = tpu.memref_squeeze %dma_start3A_299 : memref<1x128xi32, #tpu.memory_space<vmem>> -> memref<128xi32, #tpu.memory_space<vmem>>
      %dma_start3A_301 = arith.constant 0 : i32
      %dma_start3A_302 = tpu.memref_slice %arg3[%dma_start3A_301] : memref<1000000xf32, #tpu.memory_space<hbm>> -> memref<1000000xf32, #tpu.memory_space<hbm>>
      tpu.enqueue_indirect_dma source(%dma_start3A_302 : memref<1000000xf32, #tpu.memory_space<hbm>>) target(%dma_start3A_297 : memref<128xf32, #tpu.memory_space<vmem>>) offsets(%dma_start3A_300 : memref<128xi32, #tpu.memory_space<vmem>>) semaphore(%arg8 : memref<!tpu.dma_semaphore, #tpu.memory_space<semaphore_mem>>)
      %add3A_303 = arith.constant 18 : i32
      %add3A_304 = arith.addi %add3A_87, %add3A_303 : i32
      %add3A_305 = arith.constant 18 : i32
      %add3A_306 = arith.addi %add3A_87, %add3A_305 : i32
      %dma_start3A_307 = arith.constant 0 : i32
      %dma_start3A_308 = tpu.memref_slice %arg6[%add3A_306, %dma_start3A_307] : memref<200x128xf32, #tpu.memory_space<vmem>> -> memref<1x128xf32, #tpu.memory_space<vmem>>
      %dma_start3A_309 = tpu.memref_squeeze %dma_start3A_308 : memref<1x128xf32, #tpu.memory_space<vmem>> -> memref<128xf32, #tpu.memory_space<vmem>>
      %dma_start3A_310 = arith.constant 0 : i32
      %dma_start3A_311 = tpu.memref_slice %arg5[%add3A_304, %dma_start3A_310] : memref<200x128xi32, #tpu.memory_space<vmem>> -> memref<1x128xi32, #tpu.memory_space<vmem>>
      %dma_start3A_312 = tpu.memref_squeeze %dma_start3A_311 : memref<1x128xi32, #tpu.memory_space<vmem>> -> memref<128xi32, #tpu.memory_space<vmem>>
      %dma_start3A_313 = arith.constant 0 : i32
      %dma_start3A_314 = tpu.memref_slice %arg3[%dma_start3A_313] : memref<1000000xf32, #tpu.memory_space<hbm>> -> memref<1000000xf32, #tpu.memory_space<hbm>>
      tpu.enqueue_indirect_dma source(%dma_start3A_314 : memref<1000000xf32, #tpu.memory_space<hbm>>) target(%dma_start3A_309 : memref<128xf32, #tpu.memory_space<vmem>>) offsets(%dma_start3A_312 : memref<128xi32, #tpu.memory_space<vmem>>) semaphore(%arg8 : memref<!tpu.dma_semaphore, #tpu.memory_space<semaphore_mem>>)
      %add3A_315 = arith.constant 19 : i32
      %add3A_316 = arith.addi %add3A_87, %add3A_315 : i32
      %add3A_317 = arith.constant 19 : i32
      %add3A_318 = arith.addi %add3A_87, %add3A_317 : i32
      %dma_start3A_319 = arith.constant 0 : i32
      %dma_start3A_320 = tpu.memref_slice %arg6[%add3A_318, %dma_start3A_319] : memref<200x128xf32, #tpu.memory_space<vmem>> -> memref<1x128xf32, #tpu.memory_space<vmem>>
      %dma_start3A_321 = tpu.memref_squeeze %dma_start3A_320 : memref<1x128xf32, #tpu.memory_space<vmem>> -> memref<128xf32, #tpu.memory_space<vmem>>
      %dma_start3A_322 = arith.constant 0 : i32
      %dma_start3A_323 = tpu.memref_slice %arg5[%add3A_316, %dma_start3A_322] : memref<200x128xi32, #tpu.memory_space<vmem>> -> memref<1x128xi32, #tpu.memory_space<vmem>>
      %dma_start3A_324 = tpu.memref_squeeze %dma_start3A_323 : memref<1x128xi32, #tpu.memory_space<vmem>> -> memref<128xi32, #tpu.memory_space<vmem>>
      %dma_start3A_325 = arith.constant 0 : i32
      %dma_start3A_326 = tpu.memref_slice %arg3[%dma_start3A_325] : memref<1000000xf32, #tpu.memory_space<hbm>> -> memref<1000000xf32, #tpu.memory_space<hbm>>
      tpu.enqueue_indirect_dma source(%dma_start3A_326 : memref<1000000xf32, #tpu.memory_space<hbm>>) target(%dma_start3A_321 : memref<128xf32, #tpu.memory_space<vmem>>) offsets(%dma_start3A_324 : memref<128xi32, #tpu.memory_space<vmem>>) semaphore(%arg8 : memref<!tpu.dma_semaphore, #tpu.memory_space<semaphore_mem>>)
      %dma_wait3A = arith.constant 0 : i32
      %dma_wait3A_327 = tpu.memref_slice %arg6[%add3A_91, %dma_wait3A] : memref<200x128xf32, #tpu.memory_space<vmem>> -> memref<1x128xf32, #tpu.memory_space<vmem>>
      %dma_wait3A_328 = tpu.memref_squeeze %dma_wait3A_327 : memref<1x128xf32, #tpu.memory_space<vmem>> -> memref<128xf32, #tpu.memory_space<vmem>>
      %dma_wait3A_329 = arith.constant 0 : i32
      %dma_wait3A_330 = tpu.memref_slice %arg5[%add3A_89, %dma_wait3A_329] : memref<200x128xi32, #tpu.memory_space<vmem>> -> memref<1x128xi32, #tpu.memory_space<vmem>>
      %dma_wait3A_331 = tpu.memref_squeeze %dma_wait3A_330 : memref<1x128xi32, #tpu.memory_space<vmem>> -> memref<128xi32, #tpu.memory_space<vmem>>
      %dma_wait3A_332 = arith.constant 0 : i32
      %dma_wait3A_333 = tpu.memref_slice %arg3[%dma_wait3A_332] : memref<1000000xf32, #tpu.memory_space<hbm>> -> memref<1000000xf32, #tpu.memory_space<hbm>>
      tpu.wait_indirect_dma semaphore(%arg8 : memref<!tpu.dma_semaphore, #tpu.memory_space<semaphore_mem>>) src(%dma_wait3A_333 : memref<1000000xf32, #tpu.memory_space<hbm>>) dst(%dma_wait3A_328 : memref<128xf32, #tpu.memory_space<vmem>>)
      %dma_wait3A_334 = arith.constant 0 : i32
      %dma_wait3A_335 = tpu.memref_slice %arg6[%add3A_102, %dma_wait3A_334] : memref<200x128xf32, #tpu.memory_space<vmem>> -> memref<1x128xf32, #tpu.memory_space<vmem>>
      %dma_wait3A_336 = tpu.memref_squeeze %dma_wait3A_335 : memref<1x128xf32, #tpu.memory_space<vmem>> -> memref<128xf32, #tpu.memory_space<vmem>>
      %dma_wait3A_337 = arith.constant 0 : i32
      %dma_wait3A_338 = tpu.memref_slice %arg5[%add3A_100, %dma_wait3A_337] : memref<200x128xi32, #tpu.memory_space<vmem>> -> memref<1x128xi32, #tpu.memory_space<vmem>>
      %dma_wait3A_339 = tpu.memref_squeeze %dma_wait3A_338 : memref<1x128xi32, #tpu.memory_space<vmem>> -> memref<128xi32, #tpu.memory_space<vmem>>
      %dma_wait3A_340 = arith.constant 0 : i32
      %dma_wait3A_341 = tpu.memref_slice %arg3[%dma_wait3A_340] : memref<1000000xf32, #tpu.memory_space<hbm>> -> memref<1000000xf32, #tpu.memory_space<hbm>>
      tpu.wait_indirect_dma semaphore(%arg8 : memref<!tpu.dma_semaphore, #tpu.memory_space<semaphore_mem>>) src(%dma_wait3A_341 : memref<1000000xf32, #tpu.memory_space<hbm>>) dst(%dma_wait3A_336 : memref<128xf32, #tpu.memory_space<vmem>>)
      %dma_wait3A_342 = arith.constant 0 : i32
      %dma_wait3A_343 = tpu.memref_slice %arg6[%add3A_114, %dma_wait3A_342] : memref<200x128xf32, #tpu.memory_space<vmem>> -> memref<1x128xf32, #tpu.memory_space<vmem>>
      %dma_wait3A_344 = tpu.memref_squeeze %dma_wait3A_343 : memref<1x128xf32, #tpu.memory_space<vmem>> -> memref<128xf32, #tpu.memory_space<vmem>>
      %dma_wait3A_345 = arith.constant 0 : i32
      %dma_wait3A_346 = tpu.memref_slice %arg5[%add3A_112, %dma_wait3A_345] : memref<200x128xi32, #tpu.memory_space<vmem>> -> memref<1x128xi32, #tpu.memory_space<vmem>>
      %dma_wait3A_347 = tpu.memref_squeeze %dma_wait3A_346 : memref<1x128xi32, #tpu.memory_space<vmem>> -> memref<128xi32, #tpu.memory_space<vmem>>
      %dma_wait3A_348 = arith.constant 0 : i32
      %dma_wait3A_349 = tpu.memref_slice %arg3[%dma_wait3A_348] : memref<1000000xf32, #tpu.memory_space<hbm>> -> memref<1000000xf32, #tpu.memory_space<hbm>>
      tpu.wait_indirect_dma semaphore(%arg8 : memref<!tpu.dma_semaphore, #tpu.memory_space<semaphore_mem>>) src(%dma_wait3A_349 : memref<1000000xf32, #tpu.memory_space<hbm>>) dst(%dma_wait3A_344 : memref<128xf32, #tpu.memory_space<vmem>>)
      %dma_wait3A_350 = arith.constant 0 : i32
      %dma_wait3A_351 = tpu.memref_slice %arg6[%add3A_126, %dma_wait3A_350] : memref<200x128xf32, #tpu.memory_space<vmem>> -> memref<1x128xf32, #tpu.memory_space<vmem>>
      %dma_wait3A_352 = tpu.memref_squeeze %dma_wait3A_351 : memref<1x128xf32, #tpu.memory_space<vmem>> -> memref<128xf32, #tpu.memory_space<vmem>>
      %dma_wait3A_353 = arith.constant 0 : i32
      %dma_wait3A_354 = tpu.memref_slice %arg5[%add3A_124, %dma_wait3A_353] : memref<200x128xi32, #tpu.memory_space<vmem>> -> memref<1x128xi32, #tpu.memory_space<vmem>>
      %dma_wait3A_355 = tpu.memref_squeeze %dma_wait3A_354 : memref<1x128xi32, #tpu.memory_space<vmem>> -> memref<128xi32, #tpu.memory_space<vmem>>
      %dma_wait3A_356 = arith.constant 0 : i32
      %dma_wait3A_357 = tpu.memref_slice %arg3[%dma_wait3A_356] : memref<1000000xf32, #tpu.memory_space<hbm>> -> memref<1000000xf32, #tpu.memory_space<hbm>>
      tpu.wait_indirect_dma semaphore(%arg8 : memref<!tpu.dma_semaphore, #tpu.memory_space<semaphore_mem>>) src(%dma_wait3A_357 : memref<1000000xf32, #tpu.memory_space<hbm>>) dst(%dma_wait3A_352 : memref<128xf32, #tpu.memory_space<vmem>>)
      %dma_wait3A_358 = arith.constant 0 : i32
      %dma_wait3A_359 = tpu.memref_slice %arg6[%add3A_138, %dma_wait3A_358] : memref<200x128xf32, #tpu.memory_space<vmem>> -> memref<1x128xf32, #tpu.memory_space<vmem>>
      %dma_wait3A_360 = tpu.memref_squeeze %dma_wait3A_359 : memref<1x128xf32, #tpu.memory_space<vmem>> -> memref<128xf32, #tpu.memory_space<vmem>>
      %dma_wait3A_361 = arith.constant 0 : i32
      %dma_wait3A_362 = tpu.memref_slice %arg5[%add3A_136, %dma_wait3A_361] : memref<200x128xi32, #tpu.memory_space<vmem>> -> memref<1x128xi32, #tpu.memory_space<vmem>>
      %dma_wait3A_363 = tpu.memref_squeeze %dma_wait3A_362 : memref<1x128xi32, #tpu.memory_space<vmem>> -> memref<128xi32, #tpu.memory_space<vmem>>
      %dma_wait3A_364 = arith.constant 0 : i32
      %dma_wait3A_365 = tpu.memref_slice %arg3[%dma_wait3A_364] : memref<1000000xf32, #tpu.memory_space<hbm>> -> memref<1000000xf32, #tpu.memory_space<hbm>>
      tpu.wait_indirect_dma semaphore(%arg8 : memref<!tpu.dma_semaphore, #tpu.memory_space<semaphore_mem>>) src(%dma_wait3A_365 : memref<1000000xf32, #tpu.memory_space<hbm>>) dst(%dma_wait3A_360 : memref<128xf32, #tpu.memory_space<vmem>>)
      %dma_wait3A_366 = arith.constant 0 : i32
      %dma_wait3A_367 = tpu.memref_slice %arg6[%add3A_150, %dma_wait3A_366] : memref<200x128xf32, #tpu.memory_space<vmem>> -> memref<1x128xf32, #tpu.memory_space<vmem>>
      %dma_wait3A_368 = tpu.memref_squeeze %dma_wait3A_367 : memref<1x128xf32, #tpu.memory_space<vmem>> -> memref<128xf32, #tpu.memory_space<vmem>>
      %dma_wait3A_369 = arith.constant 0 : i32
      %dma_wait3A_370 = tpu.memref_slice %arg5[%add3A_148, %dma_wait3A_369] : memref<200x128xi32, #tpu.memory_space<vmem>> -> memref<1x128xi32, #tpu.memory_space<vmem>>
      %dma_wait3A_371 = tpu.memref_squeeze %dma_wait3A_370 : memref<1x128xi32, #tpu.memory_space<vmem>> -> memref<128xi32, #tpu.memory_space<vmem>>
      %dma_wait3A_372 = arith.constant 0 : i32
      %dma_wait3A_373 = tpu.memref_slice %arg3[%dma_wait3A_372] : memref<1000000xf32, #tpu.memory_space<hbm>> -> memref<1000000xf32, #tpu.memory_space<hbm>>
      tpu.wait_indirect_dma semaphore(%arg8 : memref<!tpu.dma_semaphore, #tpu.memory_space<semaphore_mem>>) src(%dma_wait3A_373 : memref<1000000xf32, #tpu.memory_space<hbm>>) dst(%dma_wait3A_368 : memref<128xf32, #tpu.memory_space<vmem>>)
      %dma_wait3A_374 = arith.constant 0 : i32
      %dma_wait3A_375 = tpu.memref_slice %arg6[%add3A_162, %dma_wait3A_374] : memref<200x128xf32, #tpu.memory_space<vmem>> -> memref<1x128xf32, #tpu.memory_space<vmem>>
      %dma_wait3A_376 = tpu.memref_squeeze %dma_wait3A_375 : memref<1x128xf32, #tpu.memory_space<vmem>> -> memref<128xf32, #tpu.memory_space<vmem>>
      %dma_wait3A_377 = arith.constant 0 : i32
      %dma_wait3A_378 = tpu.memref_slice %arg5[%add3A_160, %dma_wait3A_377] : memref<200x128xi32, #tpu.memory_space<vmem>> -> memref<1x128xi32, #tpu.memory_space<vmem>>
      %dma_wait3A_379 = tpu.memref_squeeze %dma_wait3A_378 : memref<1x128xi32, #tpu.memory_space<vmem>> -> memref<128xi32, #tpu.memory_space<vmem>>
      %dma_wait3A_380 = arith.constant 0 : i32
      %dma_wait3A_381 = tpu.memref_slice %arg3[%dma_wait3A_380] : memref<1000000xf32, #tpu.memory_space<hbm>> -> memref<1000000xf32, #tpu.memory_space<hbm>>
      tpu.wait_indirect_dma semaphore(%arg8 : memref<!tpu.dma_semaphore, #tpu.memory_space<semaphore_mem>>) src(%dma_wait3A_381 : memref<1000000xf32, #tpu.memory_space<hbm>>) dst(%dma_wait3A_376 : memref<128xf32, #tpu.memory_space<vmem>>)
      %dma_wait3A_382 = arith.constant 0 : i32
      %dma_wait3A_383 = tpu.memref_slice %arg6[%add3A_174, %dma_wait3A_382] : memref<200x128xf32, #tpu.memory_space<vmem>> -> memref<1x128xf32, #tpu.memory_space<vmem>>
      %dma_wait3A_384 = tpu.memref_squeeze %dma_wait3A_383 : memref<1x128xf32, #tpu.memory_space<vmem>> -> memref<128xf32, #tpu.memory_space<vmem>>
      %dma_wait3A_385 = arith.constant 0 : i32
      %dma_wait3A_386 = tpu.memref_slice %arg5[%add3A_172, %dma_wait3A_385] : memref<200x128xi32, #tpu.memory_space<vmem>> -> memref<1x128xi32, #tpu.memory_space<vmem>>
      %dma_wait3A_387 = tpu.memref_squeeze %dma_wait3A_386 : memref<1x128xi32, #tpu.memory_space<vmem>> -> memref<128xi32, #tpu.memory_space<vmem>>
      %dma_wait3A_388 = arith.constant 0 : i32
      %dma_wait3A_389 = tpu.memref_slice %arg3[%dma_wait3A_388] : memref<1000000xf32, #tpu.memory_space<hbm>> -> memref<1000000xf32, #tpu.memory_space<hbm>>
      tpu.wait_indirect_dma semaphore(%arg8 : memref<!tpu.dma_semaphore, #tpu.memory_space<semaphore_mem>>) src(%dma_wait3A_389 : memref<1000000xf32, #tpu.memory_space<hbm>>) dst(%dma_wait3A_384 : memref<128xf32, #tpu.memory_space<vmem>>)
      %dma_wait3A_390 = arith.constant 0 : i32
      %dma_wait3A_391 = tpu.memref_slice %arg6[%add3A_186, %dma_wait3A_390] : memref<200x128xf32, #tpu.memory_space<vmem>> -> memref<1x128xf32, #tpu.memory_space<vmem>>
      %dma_wait3A_392 = tpu.memref_squeeze %dma_wait3A_391 : memref<1x128xf32, #tpu.memory_space<vmem>> -> memref<128xf32, #tpu.memory_space<vmem>>
      %dma_wait3A_393 = arith.constant 0 : i32
      %dma_wait3A_394 = tpu.memref_slice %arg5[%add3A_184, %dma_wait3A_393] : memref<200x128xi32, #tpu.memory_space<vmem>> -> memref<1x128xi32, #tpu.memory_space<vmem>>
      %dma_wait3A_395 = tpu.memref_squeeze %dma_wait3A_394 : memref<1x128xi32, #tpu.memory_space<vmem>> -> memref<128xi32, #tpu.memory_space<vmem>>
      %dma_wait3A_396 = arith.constant 0 : i32
      %dma_wait3A_397 = tpu.memref_slice %arg3[%dma_wait3A_396] : memref<1000000xf32, #tpu.memory_space<hbm>> -> memref<1000000xf32, #tpu.memory_space<hbm>>
      tpu.wait_indirect_dma semaphore(%arg8 : memref<!tpu.dma_semaphore, #tpu.memory_space<semaphore_mem>>) src(%dma_wait3A_397 : memref<1000000xf32, #tpu.memory_space<hbm>>) dst(%dma_wait3A_392 : memref<128xf32, #tpu.memory_space<vmem>>)
      %dma_wait3A_398 = arith.constant 0 : i32
      %dma_wait3A_399 = tpu.memref_slice %arg6[%add3A_198, %dma_wait3A_398] : memref<200x128xf32, #tpu.memory_space<vmem>> -> memref<1x128xf32, #tpu.memory_space<vmem>>
      %dma_wait3A_400 = tpu.memref_squeeze %dma_wait3A_399 : memref<1x128xf32, #tpu.memory_space<vmem>> -> memref<128xf32, #tpu.memory_space<vmem>>
      %dma_wait3A_401 = arith.constant 0 : i32
      %dma_wait3A_402 = tpu.memref_slice %arg5[%add3A_196, %dma_wait3A_401] : memref<200x128xi32, #tpu.memory_space<vmem>> -> memref<1x128xi32, #tpu.memory_space<vmem>>
      %dma_wait3A_403 = tpu.memref_squeeze %dma_wait3A_402 : memref<1x128xi32, #tpu.memory_space<vmem>> -> memref<128xi32, #tpu.memory_space<vmem>>
      %dma_wait3A_404 = arith.constant 0 : i32
      %dma_wait3A_405 = tpu.memref_slice %arg3[%dma_wait3A_404] : memref<1000000xf32, #tpu.memory_space<hbm>> -> memref<1000000xf32, #tpu.memory_space<hbm>>
      tpu.wait_indirect_dma semaphore(%arg8 : memref<!tpu.dma_semaphore, #tpu.memory_space<semaphore_mem>>) src(%dma_wait3A_405 : memref<1000000xf32, #tpu.memory_space<hbm>>) dst(%dma_wait3A_400 : memref<128xf32, #tpu.memory_space<vmem>>)
      %dma_wait3A_406 = arith.constant 0 : i32
      %dma_wait3A_407 = tpu.memref_slice %arg6[%add3A_210, %dma_wait3A_406] : memref<200x128xf32, #tpu.memory_space<vmem>> -> memref<1x128xf32, #tpu.memory_space<vmem>>
      %dma_wait3A_408 = tpu.memref_squeeze %dma_wait3A_407 : memref<1x128xf32, #tpu.memory_space<vmem>> -> memref<128xf32, #tpu.memory_space<vmem>>
      %dma_wait3A_409 = arith.constant 0 : i32
      %dma_wait3A_410 = tpu.memref_slice %arg5[%add3A_208, %dma_wait3A_409] : memref<200x128xi32, #tpu.memory_space<vmem>> -> memref<1x128xi32, #tpu.memory_space<vmem>>
      %dma_wait3A_411 = tpu.memref_squeeze %dma_wait3A_410 : memref<1x128xi32, #tpu.memory_space<vmem>> -> memref<128xi32, #tpu.memory_space<vmem>>
      %dma_wait3A_412 = arith.constant 0 : i32
      %dma_wait3A_413 = tpu.memref_slice %arg3[%dma_wait3A_412] : memref<1000000xf32, #tpu.memory_space<hbm>> -> memref<1000000xf32, #tpu.memory_space<hbm>>
      tpu.wait_indirect_dma semaphore(%arg8 : memref<!tpu.dma_semaphore, #tpu.memory_space<semaphore_mem>>) src(%dma_wait3A_413 : memref<1000000xf32, #tpu.memory_space<hbm>>) dst(%dma_wait3A_408 : memref<128xf32, #tpu.memory_space<vmem>>)
      %dma_wait3A_414 = arith.constant 0 : i32
      %dma_wait3A_415 = tpu.memref_slice %arg6[%add3A_222, %dma_wait3A_414] : memref<200x128xf32, #tpu.memory_space<vmem>> -> memref<1x128xf32, #tpu.memory_space<vmem>>
      %dma_wait3A_416 = tpu.memref_squeeze %dma_wait3A_415 : memref<1x128xf32, #tpu.memory_space<vmem>> -> memref<128xf32, #tpu.memory_space<vmem>>
      %dma_wait3A_417 = arith.constant 0 : i32
      %dma_wait3A_418 = tpu.memref_slice %arg5[%add3A_220, %dma_wait3A_417] : memref<200x128xi32, #tpu.memory_space<vmem>> -> memref<1x128xi32, #tpu.memory_space<vmem>>
      %dma_wait3A_419 = tpu.memref_squeeze %dma_wait3A_418 : memref<1x128xi32, #tpu.memory_space<vmem>> -> memref<128xi32, #tpu.memory_space<vmem>>
      %dma_wait3A_420 = arith.constant 0 : i32
      %dma_wait3A_421 = tpu.memref_slice %arg3[%dma_wait3A_420] : memref<1000000xf32, #tpu.memory_space<hbm>> -> memref<1000000xf32, #tpu.memory_space<hbm>>
      tpu.wait_indirect_dma semaphore(%arg8 : memref<!tpu.dma_semaphore, #tpu.memory_space<semaphore_mem>>) src(%dma_wait3A_421 : memref<1000000xf32, #tpu.memory_space<hbm>>) dst(%dma_wait3A_416 : memref<128xf32, #tpu.memory_space<vmem>>)
      %dma_wait3A_422 = arith.constant 0 : i32
      %dma_wait3A_423 = tpu.memref_slice %arg6[%add3A_234, %dma_wait3A_422] : memref<200x128xf32, #tpu.memory_space<vmem>> -> memref<1x128xf32, #tpu.memory_space<vmem>>
      %dma_wait3A_424 = tpu.memref_squeeze %dma_wait3A_423 : memref<1x128xf32, #tpu.memory_space<vmem>> -> memref<128xf32, #tpu.memory_space<vmem>>
      %dma_wait3A_425 = arith.constant 0 : i32
      %dma_wait3A_426 = tpu.memref_slice %arg5[%add3A_232, %dma_wait3A_425] : memref<200x128xi32, #tpu.memory_space<vmem>> -> memref<1x128xi32, #tpu.memory_space<vmem>>
      %dma_wait3A_427 = tpu.memref_squeeze %dma_wait3A_426 : memref<1x128xi32, #tpu.memory_space<vmem>> -> memref<128xi32, #tpu.memory_space<vmem>>
      %dma_wait3A_428 = arith.constant 0 : i32
      %dma_wait3A_429 = tpu.memref_slice %arg3[%dma_wait3A_428] : memref<1000000xf32, #tpu.memory_space<hbm>> -> memref<1000000xf32, #tpu.memory_space<hbm>>
      tpu.wait_indirect_dma semaphore(%arg8 : memref<!tpu.dma_semaphore, #tpu.memory_space<semaphore_mem>>) src(%dma_wait3A_429 : memref<1000000xf32, #tpu.memory_space<hbm>>) dst(%dma_wait3A_424 : memref<128xf32, #tpu.memory_space<vmem>>)
      %dma_wait3A_430 = arith.constant 0 : i32
      %dma_wait3A_431 = tpu.memref_slice %arg6[%add3A_246, %dma_wait3A_430] : memref<200x128xf32, #tpu.memory_space<vmem>> -> memref<1x128xf32, #tpu.memory_space<vmem>>
      %dma_wait3A_432 = tpu.memref_squeeze %dma_wait3A_431 : memref<1x128xf32, #tpu.memory_space<vmem>> -> memref<128xf32, #tpu.memory_space<vmem>>
      %dma_wait3A_433 = arith.constant 0 : i32
      %dma_wait3A_434 = tpu.memref_slice %arg5[%add3A_244, %dma_wait3A_433] : memref<200x128xi32, #tpu.memory_space<vmem>> -> memref<1x128xi32, #tpu.memory_space<vmem>>
      %dma_wait3A_435 = tpu.memref_squeeze %dma_wait3A_434 : memref<1x128xi32, #tpu.memory_space<vmem>> -> memref<128xi32, #tpu.memory_space<vmem>>
      %dma_wait3A_436 = arith.constant 0 : i32
      %dma_wait3A_437 = tpu.memref_slice %arg3[%dma_wait3A_436] : memref<1000000xf32, #tpu.memory_space<hbm>> -> memref<1000000xf32, #tpu.memory_space<hbm>>
      tpu.wait_indirect_dma semaphore(%arg8 : memref<!tpu.dma_semaphore, #tpu.memory_space<semaphore_mem>>) src(%dma_wait3A_437 : memref<1000000xf32, #tpu.memory_space<hbm>>) dst(%dma_wait3A_432 : memref<128xf32, #tpu.memory_space<vmem>>)
      %dma_wait3A_438 = arith.constant 0 : i32
      %dma_wait3A_439 = tpu.memref_slice %arg6[%add3A_258, %dma_wait3A_438] : memref<200x128xf32, #tpu.memory_space<vmem>> -> memref<1x128xf32, #tpu.memory_space<vmem>>
      %dma_wait3A_440 = tpu.memref_squeeze %dma_wait3A_439 : memref<1x128xf32, #tpu.memory_space<vmem>> -> memref<128xf32, #tpu.memory_space<vmem>>
      %dma_wait3A_441 = arith.constant 0 : i32
      %dma_wait3A_442 = tpu.memref_slice %arg5[%add3A_256, %dma_wait3A_441] : memref<200x128xi32, #tpu.memory_space<vmem>> -> memref<1x128xi32, #tpu.memory_space<vmem>>
      %dma_wait3A_443 = tpu.memref_squeeze %dma_wait3A_442 : memref<1x128xi32, #tpu.memory_space<vmem>> -> memref<128xi32, #tpu.memory_space<vmem>>
      %dma_wait3A_444 = arith.constant 0 : i32
      %dma_wait3A_445 = tpu.memref_slice %arg3[%dma_wait3A_444] : memref<1000000xf32, #tpu.memory_space<hbm>> -> memref<1000000xf32, #tpu.memory_space<hbm>>
      tpu.wait_indirect_dma semaphore(%arg8 : memref<!tpu.dma_semaphore, #tpu.memory_space<semaphore_mem>>) src(%dma_wait3A_445 : memref<1000000xf32, #tpu.memory_space<hbm>>) dst(%dma_wait3A_440 : memref<128xf32, #tpu.memory_space<vmem>>)
      %dma_wait3A_446 = arith.constant 0 : i32
      %dma_wait3A_447 = tpu.memref_slice %arg6[%add3A_270, %dma_wait3A_446] : memref<200x128xf32, #tpu.memory_space<vmem>> -> memref<1x128xf32, #tpu.memory_space<vmem>>
      %dma_wait3A_448 = tpu.memref_squeeze %dma_wait3A_447 : memref<1x128xf32, #tpu.memory_space<vmem>> -> memref<128xf32, #tpu.memory_space<vmem>>
      %dma_wait3A_449 = arith.constant 0 : i32
      %dma_wait3A_450 = tpu.memref_slice %arg5[%add3A_268, %dma_wait3A_449] : memref<200x128xi32, #tpu.memory_space<vmem>> -> memref<1x128xi32, #tpu.memory_space<vmem>>
      %dma_wait3A_451 = tpu.memref_squeeze %dma_wait3A_450 : memref<1x128xi32, #tpu.memory_space<vmem>> -> memref<128xi32, #tpu.memory_space<vmem>>
      %dma_wait3A_452 = arith.constant 0 : i32
      %dma_wait3A_453 = tpu.memref_slice %arg3[%dma_wait3A_452] : memref<1000000xf32, #tpu.memory_space<hbm>> -> memref<1000000xf32, #tpu.memory_space<hbm>>
      tpu.wait_indirect_dma semaphore(%arg8 : memref<!tpu.dma_semaphore, #tpu.memory_space<semaphore_mem>>) src(%dma_wait3A_453 : memref<1000000xf32, #tpu.memory_space<hbm>>) dst(%dma_wait3A_448 : memref<128xf32, #tpu.memory_space<vmem>>)
      %dma_wait3A_454 = arith.constant 0 : i32
      %dma_wait3A_455 = tpu.memref_slice %arg6[%add3A_282, %dma_wait3A_454] : memref<200x128xf32, #tpu.memory_space<vmem>> -> memref<1x128xf32, #tpu.memory_space<vmem>>
      %dma_wait3A_456 = tpu.memref_squeeze %dma_wait3A_455 : memref<1x128xf32, #tpu.memory_space<vmem>> -> memref<128xf32, #tpu.memory_space<vmem>>
      %dma_wait3A_457 = arith.constant 0 : i32
      %dma_wait3A_458 = tpu.memref_slice %arg5[%add3A_280, %dma_wait3A_457] : memref<200x128xi32, #tpu.memory_space<vmem>> -> memref<1x128xi32, #tpu.memory_space<vmem>>
      %dma_wait3A_459 = tpu.memref_squeeze %dma_wait3A_458 : memref<1x128xi32, #tpu.memory_space<vmem>> -> memref<128xi32, #tpu.memory_space<vmem>>
      %dma_wait3A_460 = arith.constant 0 : i32
      %dma_wait3A_461 = tpu.memref_slice %arg3[%dma_wait3A_460] : memref<1000000xf32, #tpu.memory_space<hbm>> -> memref<1000000xf32, #tpu.memory_space<hbm>>
      tpu.wait_indirect_dma semaphore(%arg8 : memref<!tpu.dma_semaphore, #tpu.memory_space<semaphore_mem>>) src(%dma_wait3A_461 : memref<1000000xf32, #tpu.memory_space<hbm>>) dst(%dma_wait3A_456 : memref<128xf32, #tpu.memory_space<vmem>>)
      %dma_wait3A_462 = arith.constant 0 : i32
      %dma_wait3A_463 = tpu.memref_slice %arg6[%add3A_294, %dma_wait3A_462] : memref<200x128xf32, #tpu.memory_space<vmem>> -> memref<1x128xf32, #tpu.memory_space<vmem>>
      %dma_wait3A_464 = tpu.memref_squeeze %dma_wait3A_463 : memref<1x128xf32, #tpu.memory_space<vmem>> -> memref<128xf32, #tpu.memory_space<vmem>>
      %dma_wait3A_465 = arith.constant 0 : i32
      %dma_wait3A_466 = tpu.memref_slice %arg5[%add3A_292, %dma_wait3A_465] : memref<200x128xi32, #tpu.memory_space<vmem>> -> memref<1x128xi32, #tpu.memory_space<vmem>>
      %dma_wait3A_467 = tpu.memref_squeeze %dma_wait3A_466 : memref<1x128xi32, #tpu.memory_space<vmem>> -> memref<128xi32, #tpu.memory_space<vmem>>
      %dma_wait3A_468 = arith.constant 0 : i32
      %dma_wait3A_469 = tpu.memref_slice %arg3[%dma_wait3A_468] : memref<1000000xf32, #tpu.memory_space<hbm>> -> memref<1000000xf32, #tpu.memory_space<hbm>>
      tpu.wait_indirect_dma semaphore(%arg8 : memref<!tpu.dma_semaphore, #tpu.memory_space<semaphore_mem>>) src(%dma_wait3A_469 : memref<1000000xf32, #tpu.memory_space<hbm>>) dst(%dma_wait3A_464 : memref<128xf32, #tpu.memory_space<vmem>>)
      %dma_wait3A_470 = arith.constant 0 : i32
      %dma_wait3A_471 = tpu.memref_slice %arg6[%add3A_306, %dma_wait3A_470] : memref<200x128xf32, #tpu.memory_space<vmem>> -> memref<1x128xf32, #tpu.memory_space<vmem>>
      %dma_wait3A_472 = tpu.memref_squeeze %dma_wait3A_471 : memref<1x128xf32, #tpu.memory_space<vmem>> -> memref<128xf32, #tpu.memory_space<vmem>>
      %dma_wait3A_473 = arith.constant 0 : i32
      %dma_wait3A_474 = tpu.memref_slice %arg5[%add3A_304, %dma_wait3A_473] : memref<200x128xi32, #tpu.memory_space<vmem>> -> memref<1x128xi32, #tpu.memory_space<vmem>>
      %dma_wait3A_475 = tpu.memref_squeeze %dma_wait3A_474 : memref<1x128xi32, #tpu.memory_space<vmem>> -> memref<128xi32, #tpu.memory_space<vmem>>
      %dma_wait3A_476 = arith.constant 0 : i32
      %dma_wait3A_477 = tpu.memref_slice %arg3[%dma_wait3A_476] : memref<1000000xf32, #tpu.memory_space<hbm>> -> memref<1000000xf32, #tpu.memory_space<hbm>>
      tpu.wait_indirect_dma semaphore(%arg8 : memref<!tpu.dma_semaphore, #tpu.memory_space<semaphore_mem>>) src(%dma_wait3A_477 : memref<1000000xf32, #tpu.memory_space<hbm>>) dst(%dma_wait3A_472 : memref<128xf32, #tpu.memory_space<vmem>>)
      %dma_wait3A_478 = arith.constant 0 : i32
      %dma_wait3A_479 = tpu.memref_slice %arg6[%add3A_318, %dma_wait3A_478] : memref<200x128xf32, #tpu.memory_space<vmem>> -> memref<1x128xf32, #tpu.memory_space<vmem>>
      %dma_wait3A_480 = tpu.memref_squeeze %dma_wait3A_479 : memref<1x128xf32, #tpu.memory_space<vmem>> -> memref<128xf32, #tpu.memory_space<vmem>>
      %dma_wait3A_481 = arith.constant 0 : i32
      %dma_wait3A_482 = tpu.memref_slice %arg5[%add3A_316, %dma_wait3A_481] : memref<200x128xi32, #tpu.memory_space<vmem>> -> memref<1x128xi32, #tpu.memory_space<vmem>>
      %dma_wait3A_483 = tpu.memref_squeeze %dma_wait3A_482 : memref<1x128xi32, #tpu.memory_space<vmem>> -> memref<128xi32, #tpu.memory_space<vmem>>
      %dma_wait3A_484 = arith.constant 0 : i32
      %dma_wait3A_485 = tpu.memref_slice %arg3[%dma_wait3A_484] : memref<1000000xf32, #tpu.memory_space<hbm>> -> memref<1000000xf32, #tpu.memory_space<hbm>>
      tpu.wait_indirect_dma semaphore(%arg8 : memref<!tpu.dma_semaphore, #tpu.memory_space<semaphore_mem>>) src(%dma_wait3A_485 : memref<1000000xf32, #tpu.memory_space<hbm>>) dst(%dma_wait3A_480 : memref<128xf32, #tpu.memory_space<vmem>>)
    }
    %scan3A_6 = arith.constant 10 : i32
    %broadcast_in_dim3A = arith.constant 0.000000e+00 : f32
    %broadcast_in_dim3A_7 = vector.broadcast %broadcast_in_dim3A : f32 to vector<16xf32>
    %broadcast_in_dim3A_8 = arith.constant 0.000000e+00 : f32
    %broadcast_in_dim3A_9 = vector.broadcast %broadcast_in_dim3A_8 : f32 to vector<16xf32>
    %broadcast_in_dim3A_10 = arith.constant 0.000000e+00 : f32
    %broadcast_in_dim3A_11 = vector.broadcast %broadcast_in_dim3A_10 : f32 to vector<16xf32>
    %broadcast_in_dim3A_12 = arith.constant 0.000000e+00 : f32
    %broadcast_in_dim3A_13 = vector.broadcast %broadcast_in_dim3A_12 : f32 to vector<16xf32>
    %broadcast_in_dim3A_14 = arith.constant 0.000000e+00 : f32
    %broadcast_in_dim3A_15 = vector.broadcast %broadcast_in_dim3A_14 : f32 to vector<16xf32>
    %broadcast_in_dim3A_16 = arith.constant 0.000000e+00 : f32
    %broadcast_in_dim3A_17 = vector.broadcast %broadcast_in_dim3A_16 : f32 to vector<16xf32>
    %broadcast_in_dim3A_18 = arith.constant 0.000000e+00 : f32
    %broadcast_in_dim3A_19 = vector.broadcast %broadcast_in_dim3A_18 : f32 to vector<16xf32>
    %broadcast_in_dim3A_20 = arith.constant 0.000000e+00 : f32
    %broadcast_in_dim3A_21 = vector.broadcast %broadcast_in_dim3A_20 : f32 to vector<16xf32>
    %scan3A_22 = arith.constant 0 : i32
    %scan3A_23 = arith.constant 200 : i32
    %scan3A_24 = arith.addi %scan3A_22, %scan3A_23 : i32
    %scan3A_25 = arith.constant 1 : i32
    %scan3A_26:8 = scf.for %scan3A_83 = %scan3A_22 to %scan3A_24 step %scan3A_25 iter_args(%scan3A_84 = %broadcast_in_dim3A_7, %scan3A_85 = %broadcast_in_dim3A_9, %scan3A_86 = %broadcast_in_dim3A_11, %scan3A_87 = %broadcast_in_dim3A_13, %scan3A_88 = %broadcast_in_dim3A_15, %scan3A_89 = %broadcast_in_dim3A_17, %scan3A_90 = %broadcast_in_dim3A_19, %scan3A_91 = %broadcast_in_dim3A_21) -> (vector<16xf32>, vector<16xf32>, vector<16xf32>, vector<16xf32>, vector<16xf32>, vector<16xf32>, vector<16xf32>, vector<16xf32>)  : i32 {
      %get3A = arith.index_cast %scan3A_83 : i32 to index
      %get3A_92 = arith.constant 0 : index
      %get3A_93 = tpu.vector_load %arg6[%get3A, %get3A_92] {strides = array<i32>} : memref<200x128xf32, #tpu.memory_space<vmem>>, vector<1x16xf32>,
      %get3A_94 = vector.shape_cast %get3A_93 : vector<1x16xf32> to vector<16xf32>
      %add3A_95 = arith.addf %scan3A_84, %get3A_94 : vector<16xf32>
      %get3A_96 = arith.index_cast %scan3A_83 : i32 to index
      %get3A_97 = arith.constant 16 : index
      %get3A_98 = tpu.vector_load %arg6[%get3A_96, %get3A_97] {strides = array<i32>} : memref<200x128xf32, #tpu.memory_space<vmem>>, vector<1x16xf32>,
      %get3A_99 = vector.shape_cast %get3A_98 : vector<1x16xf32> to vector<16xf32>
      %add3A_100 = arith.addf %scan3A_85, %get3A_99 : vector<16xf32>
      %get3A_101 = arith.index_cast %scan3A_83 : i32 to index
      %get3A_102 = arith.constant 32 : index
      %get3A_103 = tpu.vector_load %arg6[%get3A_101, %get3A_102] {strides = array<i32>} : memref<200x128xf32, #tpu.memory_space<vmem>>, vector<1x16xf32>,
      %get3A_104 = vector.shape_cast %get3A_103 : vector<1x16xf32> to vector<16xf32>
      %add3A_105 = arith.addf %scan3A_86, %get3A_104 : vector<16xf32>
      %get3A_106 = arith.index_cast %scan3A_83 : i32 to index
      %get3A_107 = arith.constant 48 : index
      %get3A_108 = tpu.vector_load %arg6[%get3A_106, %get3A_107] {strides = array<i32>} : memref<200x128xf32, #tpu.memory_space<vmem>>, vector<1x16xf32>,
      %get3A_109 = vector.shape_cast %get3A_108 : vector<1x16xf32> to vector<16xf32>
      %add3A_110 = arith.addf %scan3A_87, %get3A_109 : vector<16xf32>
      %get3A_111 = arith.index_cast %scan3A_83 : i32 to index
      %get3A_112 = arith.constant 64 : index
      %get3A_113 = tpu.vector_load %arg6[%get3A_111, %get3A_112] {strides = array<i32>} : memref<200x128xf32, #tpu.memory_space<vmem>>, vector<1x16xf32>,
      %get3A_114 = vector.shape_cast %get3A_113 : vector<1x16xf32> to vector<16xf32>
      %add3A_115 = arith.addf %scan3A_88, %get3A_114 : vector<16xf32>
      %get3A_116 = arith.index_cast %scan3A_83 : i32 to index
      %get3A_117 = arith.constant 80 : index
      %get3A_118 = tpu.vector_load %arg6[%get3A_116, %get3A_117] {strides = array<i32>} : memref<200x128xf32, #tpu.memory_space<vmem>>, vector<1x16xf32>,
      %get3A_119 = vector.shape_cast %get3A_118 : vector<1x16xf32> to vector<16xf32>
      %add3A_120 = arith.addf %scan3A_89, %get3A_119 : vector<16xf32>
      %get3A_121 = arith.index_cast %scan3A_83 : i32 to index
      %get3A_122 = arith.constant 96 : index
      %get3A_123 = tpu.vector_load %arg6[%get3A_121, %get3A_122] {strides = array<i32>} : memref<200x128xf32, #tpu.memory_space<vmem>>, vector<1x16xf32>,
      %get3A_124 = vector.shape_cast %get3A_123 : vector<1x16xf32> to vector<16xf32>
      %add3A_125 = arith.addf %scan3A_90, %get3A_124 : vector<16xf32>
      %get3A_126 = arith.index_cast %scan3A_83 : i32 to index
      %get3A_127 = arith.constant 112 : index
      %get3A_128 = tpu.vector_load %arg6[%get3A_126, %get3A_127] {strides = array<i32>} : memref<200x128xf32, #tpu.memory_space<vmem>>, vector<1x16xf32>,
      %get3A_129 = vector.shape_cast %get3A_128 : vector<1x16xf32> to vector<16xf32>
      %add3A_130 = arith.addf %scan3A_91, %get3A_129 : vector<16xf32>
      scf.yield %add3A_95, %add3A_100, %add3A_105, %add3A_110, %add3A_115, %add3A_120, %add3A_125, %add3A_130 : vector<16xf32>, vector<16xf32>, vector<16xf32>, vector<16xf32>, vector<16xf32>, vector<16xf32>, vector<16xf32>, vector<16xf32>
    }
    %scan3A_27 = arith.constant 200 : i32
    %mul3A_28 = arith.constant 5.000000e-03 : f32
    %mul3A_29 = vector.broadcast %mul3A_28 : f32 to vector<16xf32>
    %mul3A_30 = arith.mulf %scan3A_26#0, %mul3A_29 : vector<16xf32>
    %swap3A = arith.constant 0 : index
    %swap3A_31 = tpu.vector_load %arg7[%swap3A] {strides = array<i32>} : memref<128xf32, #tpu.memory_space<vmem>>, vector<16xf32>,
    %swap3A_32 = vector.shape_cast %swap3A_31 : vector<16xf32> to vector<16xf32>
    %swap3A_33 = vector.shape_cast %mul3A_30 : vector<16xf32> to vector<16xf32>
    tpu.vector_store %arg7[%swap3A], %swap3A_33 {strides = array<i32>} : memref<128xf32, #tpu.memory_space<vmem>>, vector<16xf32>,
    %mul3A_34 = arith.constant 5.000000e-03 : f32
    %mul3A_35 = vector.broadcast %mul3A_34 : f32 to vector<16xf32>
    %mul3A_36 = arith.mulf %scan3A_26#1, %mul3A_35 : vector<16xf32>
    %swap3A_37 = arith.constant 16 : index
    %swap3A_38 = tpu.vector_load %arg7[%swap3A_37] {strides = array<i32>} : memref<128xf32, #tpu.memory_space<vmem>>, vector<16xf32>,
    %swap3A_39 = vector.shape_cast %swap3A_38 : vector<16xf32> to vector<16xf32>
    %swap3A_40 = vector.shape_cast %mul3A_36 : vector<16xf32> to vector<16xf32>
    tpu.vector_store %arg7[%swap3A_37], %swap3A_40 {strides = array<i32>} : memref<128xf32, #tpu.memory_space<vmem>>, vector<16xf32>,
    %mul3A_41 = arith.constant 5.000000e-03 : f32
    %mul3A_42 = vector.broadcast %mul3A_41 : f32 to vector<16xf32>
    %mul3A_43 = arith.mulf %scan3A_26#2, %mul3A_42 : vector<16xf32>
    %swap3A_44 = arith.constant 32 : index
    %swap3A_45 = tpu.vector_load %arg7[%swap3A_44] {strides = array<i32>} : memref<128xf32, #tpu.memory_space<vmem>>, vector<16xf32>,
    %swap3A_46 = vector.shape_cast %swap3A_45 : vector<16xf32> to vector<16xf32>
    %swap3A_47 = vector.shape_cast %mul3A_43 : vector<16xf32> to vector<16xf32>
    tpu.vector_store %arg7[%swap3A_44], %swap3A_47 {strides = array<i32>} : memref<128xf32, #tpu.memory_space<vmem>>, vector<16xf32>,
    %mul3A_48 = arith.constant 5.000000e-03 : f32
    %mul3A_49 = vector.broadcast %mul3A_48 : f32 to vector<16xf32>
    %mul3A_50 = arith.mulf %scan3A_26#3, %mul3A_49 : vector<16xf32>
    %swap3A_51 = arith.constant 48 : index
    %swap3A_52 = tpu.vector_load %arg7[%swap3A_51] {strides = array<i32>} : memref<128xf32, #tpu.memory_space<vmem>>, vector<16xf32>,
    %swap3A_53 = vector.shape_cast %swap3A_52 : vector<16xf32> to vector<16xf32>
    %swap3A_54 = vector.shape_cast %mul3A_50 : vector<16xf32> to vector<16xf32>
    tpu.vector_store %arg7[%swap3A_51], %swap3A_54 {strides = array<i32>} : memref<128xf32, #tpu.memory_space<vmem>>, vector<16xf32>,
    %mul3A_55 = arith.constant 5.000000e-03 : f32
    %mul3A_56 = vector.broadcast %mul3A_55 : f32 to vector<16xf32>
    %mul3A_57 = arith.mulf %scan3A_26#4, %mul3A_56 : vector<16xf32>
    %swap3A_58 = arith.constant 64 : index
    %swap3A_59 = tpu.vector_load %arg7[%swap3A_58] {strides = array<i32>} : memref<128xf32, #tpu.memory_space<vmem>>, vector<16xf32>,
    %swap3A_60 = vector.shape_cast %swap3A_59 : vector<16xf32> to vector<16xf32>
    %swap3A_61 = vector.shape_cast %mul3A_57 : vector<16xf32> to vector<16xf32>
    tpu.vector_store %arg7[%swap3A_58], %swap3A_61 {strides = array<i32>} : memref<128xf32, #tpu.memory_space<vmem>>, vector<16xf32>,
    %mul3A_62 = arith.constant 5.000000e-03 : f32
    %mul3A_63 = vector.broadcast %mul3A_62 : f32 to vector<16xf32>
    %mul3A_64 = arith.mulf %scan3A_26#5, %mul3A_63 : vector<16xf32>
    %swap3A_65 = arith.constant 80 : index
    %swap3A_66 = tpu.vector_load %arg7[%swap3A_65] {strides = array<i32>} : memref<128xf32, #tpu.memory_space<vmem>>, vector<16xf32>,
    %swap3A_67 = vector.shape_cast %swap3A_66 : vector<16xf32> to vector<16xf32>
    %swap3A_68 = vector.shape_cast %mul3A_64 : vector<16xf32> to vector<16xf32>
    tpu.vector_store %arg7[%swap3A_65], %swap3A_68 {strides = array<i32>} : memref<128xf32, #tpu.memory_space<vmem>>, vector<16xf32>,
    %mul3A_69 = arith.constant 5.000000e-03 : f32
    %mul3A_70 = vector.broadcast %mul3A_69 : f32 to vector<16xf32>
    %mul3A_71 = arith.mulf %scan3A_26#6, %mul3A_70 : vector<16xf32>
    %swap3A_72 = arith.constant 96 : index
    %swap3A_73 = tpu.vector_load %arg7[%swap3A_72] {strides = array<i32>} : memref<128xf32, #tpu.memory_space<vmem>>, vector<16xf32>,
    %swap3A_74 = vector.shape_cast %swap3A_73 : vector<16xf32> to vector<16xf32>
    %swap3A_75 = vector.shape_cast %mul3A_71 : vector<16xf32> to vector<16xf32>
    tpu.vector_store %arg7[%swap3A_72], %swap3A_75 {strides = array<i32>} : memref<128xf32, #tpu.memory_space<vmem>>, vector<16xf32>,
    %mul3A_76 = arith.constant 5.000000e-03 : f32
    %mul3A_77 = vector.broadcast %mul3A_76 : f32 to vector<16xf32>
    %mul3A_78 = arith.mulf %scan3A_26#7, %mul3A_77 : vector<16xf32>
    %swap3A_79 = arith.constant 112 : index
    %swap3A_80 = tpu.vector_load %arg7[%swap3A_79] {strides = array<i32>} : memref<128xf32, #tpu.memory_space<vmem>>, vector<16xf32>,
    %swap3A_81 = vector.shape_cast %swap3A_80 : vector<16xf32> to vector<16xf32>
    %swap3A_82 = vector.shape_cast %mul3A_78 : vector<16xf32> to vector<16xf32>
    tpu.vector_store %arg7[%swap3A_79], %swap3A_82 {strides = array<i32>} : memref<128xf32, #tpu.memory_space<vmem>>, vector<16xf32>,
    "tpu.region"() ({
      %run_scoped3A = tpu.sem_alloc : memref<!tpu.dma_semaphore, #tpu.memory_space<semaphore_mem>>
      %dma_start3A = tpu.memref_slice %arg4[%mul3A_2] : memref<4096xf32, #tpu.memory_space<hbm>> -> memref<128xf32, #tpu.memory_space<hbm>>
      %dma_start3A_83 = tpu.memref_slice %arg4[%mul3A_2] : memref<4096xf32, #tpu.memory_space<hbm>> -> memref<128xf32, #tpu.memory_space<hbm>>
      tpu.enqueue_dma source(%arg7 : memref<128xf32, #tpu.memory_space<vmem>>) target(%dma_start3A_83 : memref<128xf32, #tpu.memory_space<hbm>>) target_semaphore(%run_scoped3A : memref<!tpu.dma_semaphore, #tpu.memory_space<semaphore_mem>>)
      %dma_wait3A = tpu.memref_slice %arg4[%mul3A_2] : memref<4096xf32, #tpu.memory_space<hbm>> -> memref<128xf32, #tpu.memory_space<hbm>>
      %dma_wait3A_84 = tpu.memref_slice %arg4[%mul3A_2] : memref<4096xf32, #tpu.memory_space<hbm>> -> memref<128xf32, #tpu.memory_space<hbm>>
      tpu.wait_dma2 semaphore(%run_scoped3A : memref<!tpu.dma_semaphore, #tpu.memory_space<semaphore_mem>>) src(%arg7 : memref<128xf32, #tpu.memory_space<vmem>>) dst(%dma_wait3A_84 : memref<128xf32, #tpu.memory_space<hbm>>)
      tpu.yield
    }) : () -> ()
    return
  }
}

module attributes {stable_mosaic.version = 14 : i64} {
  func.func @_tv_body(%arg0: i32, %arg1: memref<8192x32xf32, #tpu.memory_space<vmem>>, %arg2: memref<4x32xbf16, #tpu.memory_space<vmem>>, %arg3: memref<1xf32, #tpu.memory_space<smem>>, %arg4: memref<8192xf32, #tpu.memory_space<vmem>>) attributes {dimension_semantics = [#tpu.dimension_semantics<arbitrary>], iteration_bounds = array<i64: 123>, scalar_prefetch = 0 : i64, scratch_operands = 0 : i64, tpu.core_type = #tpu.core_type<tc>, window_params = [{transform_indices = @transform_0, window_bounds = array<i64: 8192, 32>}, {pipeline_mode = #tpu.pipeline_mode<synchronous>, transform_indices = @transform_1, window_bounds = array<i64: 4, 32>}, {transform_indices = @transform_2, window_bounds = array<i64: 1>}, {transform_indices = @transform_3, window_bounds = array<i64: 8192>}]} {
    %get3A = arith.constant 0 : index
    %get3A_0 = arith.constant 0 : index
    %get3A_1 = vector.load %arg1[%get3A, %get3A_0] : memref<8192x32xf32, #tpu.memory_space<vmem>>, vector<8192x32xf32>
    %convert_element_type3A = arith.truncf %get3A_1 : vector<8192x32xf32> to vector<8192x32xbf16>
    %get3A_2 = arith.constant 0 : index
    %get3A_3 = arith.constant 0 : index
    %get3A_4 = vector.load %arg2[%get3A_2, %get3A_3] : memref<4x32xbf16, #tpu.memory_space<vmem>>, vector<4x32xbf16>
    %dot_general3A = arith.constant dense<0.000000e+00> : vector<4x8192xf32>
    %dot_general3A_5 = tpu.matmul %get3A_4, %convert_element_type3A, %dot_general3A {dimension_numbers = #tpu.dot_dimension_numbers<[1], [1], [0], [0], [0, 0, 1, 0], [], []>, transpose_lhs_hint = false} : vector<4x32xbf16>, vector<8192x32xbf16>, vector<4x8192xf32> -> vector<4x8192xf32>
    %slice3A = vector.extract_strided_slice %dot_general3A_5 {offsets = [0, 0], sizes = [1, 8192], strides = [1, 1]} : vector<4x8192xf32> to vector<1x8192xf32>
    %squeeze3A = vector.shape_cast %slice3A : vector<1x8192xf32> to vector<8192xf32>
    %get3A_6 = arith.constant 0 : index
    %get3A_7 = memref.load %arg3[%get3A_6] : memref<1xf32, #tpu.memory_space<smem>>
    %add3A = vector.broadcast %get3A_7 : f32 to vector<8192xf32>
    %add3A_8 = arith.addf %squeeze3A, %add3A : vector<8192xf32>
    %swap3A = arith.constant 0 : index
    %swap3A_9 = vector.load %arg4[%swap3A] : memref<8192xf32, #tpu.memory_space<vmem>>, vector<8192xf32>
    tpu.vector_store %arg4[%swap3A], %add3A_8 {strides = array<i32>} : memref<8192xf32, #tpu.memory_space<vmem>>, vector<8192xf32>,
    return
  }
  func.func @transform_0(%arg0: i32) -> (i32, i32) {
    %c0_i32 = arith.constant 0 : i32
    %c0_i32_0 = arith.constant 0 : i32
    return %arg0, %c0_i32 : i32, i32
  }
  func.func @transform_1(%arg0: i32) -> (i32, i32) {
    %c0_i32 = arith.constant 0 : i32
    %c0_i32_0 = arith.constant 0 : i32
    %c0_i32_1 = arith.constant 0 : i32
    return %c0_i32, %c0_i32_0 : i32, i32
  }
  func.func @transform_2(%arg0: i32) -> i32 {
    %c0_i32 = arith.constant 0 : i32
    %c0_i32_0 = arith.constant 0 : i32
    return %c0_i32 : i32
  }
  func.func @transform_3(%arg0: i32) -> i32 {
    %c0_i32 = arith.constant 0 : i32
    return %arg0 : i32
  }
}

</mosaic_0001>

<sc_bundles>
// kernel: kernel.4.cloned.1.call-start
scs
__scs_entry_jumppad:
0x0: {  	(pc) =	sbr.rel $0x88, $3  }
0x1: {  	(tag) =	ssettag $0x0;
	lr =	simm.s32 $0x1  }
0x2: {  	[smem:$0x3F9D] =	sst lr;
	_ =	strace $0xD0000000  }
0x3: {  	_ = 	snop  }
0x4: {  	_ = 	snop  }
0x5: {  	_ = 	snop  }
0x6: {  	_ = 	snop  }
0x7: {  	_ = 	snop  }
__scs_overlays_trampoline_lowered:
0x8: {  	[smem:$0x3FAC] =	sst s0  }
0x9: {  	[smem:$0x3FAD] =	sst s1  }
0xa: {  	[smem:$0x3FAE] =	sst s2  }
0xb: {  	[smem:$0x3FAF] =	sst s3  }
0xc: {  	[smem:$0x3FB0] =	sst s4  }
0xd: {  	[smem:$0x3FB1] =	sst s5  }
0xe: {  	[smem:$0x3FB2] =	sst s6  }
0xf: {  	[smem:$0x3FB3] =	sst s7  }
0x10: {  	[smem:$0x3FB4] =	sst s8  }
0x11: {  	[smem:$0x3FB5] =	sst s9;
	s0 =	simm.s32 @!p0 $0x0  }
0x12: {  	s1 =	sld [smem:$0x3F9B];
	s0 =	simm.s32 @p0 $0x1  }
0x13: {  	[smem:$0x3FB6] =	sst s0;
	s0 =	simm.s32 @!p1 $0x0  }
0x14: {  	s2 =	sld [smem:$0x3F9A];
	s0 =	simm.s32 @p1 $0x1  }
0x15: {  	[smem:$0x3FB7] =	sst s0;
	s0 =	simm.s32 @!p2 $0x0  }
0x16: {  	s3 =	sld [smem:$0x3FDB];
	s0 =	simm.s32 @p2 $0x1  }
0x17: {  	s4 =	simm.s32 $0x1BF5;
	[smem:$0x3FB9] =	sst s0  }
0x18: {  	s0 =	sld [smem:$0x3F9C];
	_ =	swait.ge [sflag:s4], $0x0  }
0x19: {  	s7 =	sld [smem:$0x3F9D]  }
0x1a: {  	s8 =	sadd.s32 $0xFFFFE003, lr  }
0x1b: {  	s9 =	sadd.s32 $0xFFFFFEF7, lr;
	s5 =	simm.s32 $0xFFFFFFFF;
	p2 =	slt.u32 s8, $0xFFFFF086  }
0x1c: {  	p1 =	slt.u32 s9, $0xF7A;
	s5 =	simm.s32 @!p2 $0x0  }
0x1d: {  	s5 =	simm.s32 @p1 $0x1;
	p0 =	seq.s32 s7, s2  }
0x1e: {  	s7 =	smul.u32 @!p0 $0xF7A, s2;
	p2 =	seq.s32 @!p0 s5, $0x0  }
0x1f: {  	s9 =	smul.u32 $0xF7A, s1;
	s8 =	simm.s32 @!p0 $0x1BF5;
	p2 =	por !p2, p0  }
0x20: {  	[sflag:s8] =	ssyncset.s32 @!p0 $0xFFFFF086;
	s6 =	sadd.s32 @!p0 s3, s7;
	s7 =	simm.s32 @!p0 $0x108  }
0x21: {  	s3 =	sadd.s32 s3, s9;
	s6 =	sadd.s32 @!p0 $0x88, s6;
	s7 =	simm.s32 @p2 $0x1082  }
0x22: {  	[simem:s7], [sflag:s8] =	dma.local @!p0 [hbm:s6], $0xF7A  }
0x23: {  	s9 =	sor.u32 $0xD0000000, s2;
	s6 =	simm.s32 $0x108;
	_ =	swait.ge @!p0 [sflag:s8], $0x0  }
0x24: {  	s3 =	sadd.s32 $0x88, s3;
	s6 =	simm.s32 @!p1 $0x1082;
	[sflag:s4] =	ssyncset.s32 $0xFFFFF086  }
0x25: {  	[simem:s6], [sflag:s4] =	dma.local [hbm:s3], $0xF7A  }
0x26: {  	[smem:$0x3F9D] =	sst s1;
	(tag) =	ssettag s2;
	_ =	strace s9  }
0x27: {  	s1 =	sld [smem:$0x3FAD]  }
0x28: {  	s2 =	sld [smem:$0x3FAE]  }
0x29: {  	s4 =	sld [smem:$0x3FB0]  }
0x2a: {  	p0 =	seq.s32 s5, $0x0;
	s5 =	sld [smem:$0x3FB1]  }
0x2b: {  	s6 =	sld [smem:$0x3FB2]  }
0x2c: {  	s7 =	sld [smem:$0x3FB3]  }
0x2d: {  	s3 =	simm.s32 $0x108;
	s8 =	sld [smem:$0x3FB4]  }
0x2e: {  	s3 =	simm.s32 @!p0 $0x1082;
	s9 =	sld [smem:$0x3FB5]  }
0x2f: {  	lr =	sadd.s32 s0, s3;
	s0 =	sld [smem:$0x3FAC]  }
0x30: {  	s3 =	sld [smem:$0x3FAF]  }
0x31: {  	[smem:$0x3FB8] =	sst s10  }
0x32: {  	s10 =	sld [smem:$0x3FB6];
	_ =	sdelay $0x3  }
0x33: {  	p0 =	seq.s32 s10, $0x1;
	s10 =	sld [smem:$0x3FB8];
	_ =	sdelay $0x3  }
0x34: {  	[smem:$0x3FB8] =	sst s10  }
0x35: {  	s10 =	sld [smem:$0x3FB7];
	_ =	sdelay $0x3  }
0x36: {  	p1 =	seq.s32 s10, $0x1;
	s10 =	sld [smem:$0x3FB8];
	_ =	sdelay $0x3  }
0x37: {  	[smem:$0x3FB8] =	sst s10  }
0x38: {  	s10 =	sld [smem:$0x3FB9]  }
0x39: {  	_ = 	snop;
	(pc) =	sbr.ind lr, $3  }
0x3a: {  	_ = 	snop  }
0x3b: {  	_ = 	snop  }
0x3c: {  	p2 =	seq.s32 s10, $0x1;
	s10 =	sld [smem:$0x3FB8]  }
0x3d: {  	_ =	shalt  }
0x3e: {  	_ =	shalt  }
0x3f: {  	_ =	shalt  }
0x40: {  	_ =	shalt  }
0x41: {  	_ =	shalt  }
0x42: {  	_ =	shalt  }
0x43: {  	_ =	shalt  }
0x44: {  	_ =	shalt  }
0x45: {  	_ =	shalt  }
0x46: {  	_ =	shalt  }
0x47: {  	_ =	shalt  }
0x48: {  	_ =	shalt  }
0x49: {  	_ =	shalt  }
0x4a: {  	_ =	shalt  }
0x4b: {  	_ =	shalt  }
0x4c: {  	_ =	shalt  }
0x4d: {  	_ =	shalt  }
0x4e: {  	_ =	shalt  }
0x4f: {  	_ =	shalt  }
0x50: {  	_ =	shalt  }
0x51: {  	_ =	shalt  }
0x52: {  	_ =	shalt  }
0x53: {  	_ =	shalt  }
0x54: {  	_ =	shalt  }
0x55: {  	_ =	shalt  }
0x56: {  	_ =	shalt  }
0x57: {  	_ =	shalt  }
0x58: {  	_ =	shalt  }
0x59: {  	_ =	shalt  }
0x5a: {  	_ =	shalt  }
0x5b: {  	_ =	shalt  }
0x5c: {  	_ =	shalt  }
0x5d: {  	_ =	shalt  }
0x5e: {  	_ =	shalt  }
0x5f: {  	_ =	shalt  }
0x60: {  	_ =	shalt  }
0x61: {  	_ =	shalt  }
0x62: {  	_ =	shalt  }
0x63: {  	_ =	shalt  }
0x64: {  	_ =	shalt  }
0x65: {  	_ =	shalt  }
0x66: {  	_ =	shalt  }
0x67: {  	_ =	shalt  }
0x68: {  	_ =	shalt  }
0x69: {  	_ =	shalt  }
0x6a: {  	_ =	shalt  }
0x6b: {  	_ =	shalt  }
0x6c: {  	_ =	shalt  }
0x6d: {  	_ =	shalt  }
0x6e: {  	_ =	shalt  }
0x6f: {  	_ =	shalt  }
0x70: {  	_ =	shalt  }
0x71: {  	_ =	shalt  }
0x72: {  	_ =	shalt  }
0x73: {  	_ =	shalt  }
0x74: {  	_ =	shalt  }
0x75: {  	_ =	shalt  }
0x76: {  	_ =	shalt  }
0x77: {  	_ =	shalt  }
0x78: {  	_ =	shalt  }
0x79: {  	_ =	shalt  }
0x7a: {  	_ =	shalt  }
0x7b: {  	_ =	shalt  }
0x7c: {  	_ =	shalt  }
0x7d: {  	_ =	shalt  }
0x7e: {  	_ =	shalt  }
0x7f: {  	_ =	shalt  }
0x80: {  	_ =	shalt  }
0x81: {  	_ =	shalt  }
0x82: {  	_ =	shalt  }
0x83: {  	_ =	shalt  }
0x84: {  	_ =	shalt  }
0x85: {  	_ =	shalt  }
0x86: {  	_ =	shalt  }
0x87: {  	_ =	shalt  }
.Lfunc_end0:
.L_simem_size_0:
called_computation_lowered:
.L_overlay_start_0:
0x88: {  	s2 =	sld [smem:$0x3FD9]  }
0x89: {  	s3 =	sld [smem:$0x3FFE];
	_ =	sdelay $0x1  }
0x8a: {  	s1 =	srdreg.scid  }
0x8b: {  	s0 =	sand.u32 $0x1, s1  }
0x8c: {  	s17 =	sshll.u32 s0, $0xA;
	s2 =	sadd.s32 s3, s2  }
0x8d: {  	s2 =	sadd.s32 s2, s17  }
0x8e: {  	[smem:$0x3FC4] =	sst s2  }
0x8f: {  	_ = 	snop  }
0x90: {  	s2 =	sld [smem:$0x3FC9]  }
0x91: {  	s18 =	sld [smem:$0x3FD0];
	(tm) =	ssettm $0x1  }
0x92: {  	s4 =	sld [smem:$0x3FFB];
	_ =	sdelay $0x3  }
0x93: {  	_ =	strace s4  }
0x94: {  	s4 =	sld [smem:$0x3FFC];
	_ =	sdelay $0x3  }
0x95: {  	_ =	strace s4  }
0x96: {  	s4 =	sld [smem:$0x3FFD];
	_ =	sdelay $0x3  }
0x97: {  	_ =	strace s4  }
0x98: {  	_ =	strace $0x8FFFFFFF  }
0x99: {  	s19 =	sld [smem:$0x3FDB];
	_ =	sdelay $0x1  }
0x9a: {  	s5 =	simm.s32 $_scs_section_size  }
0x9b: {  	s6 =	simm.s32 $_size__tile_overlayer_lowered;
	s7 =	simm.s32 $_tile_overlayer_lowered  }
0x9c: {  	s22 =	simm.s32 $0x1BFF;
	s21 =	sshll.u32 s7, $0x1;
	s4 =	sadd.s32 s5, s19  }
0x9d: {  	s8 =	simm.s32 $0x0;
	s20 =	sshll.u32 s6, $0x1;
	s6 =	sadd.s32 s21, s4  }
0x9e: {  	[timem:s8], [sflag:s22] =	dma.local [hbm:s6], s20  }
0x9f: {  	_ =	swait.ge [sflag:s22], s20  }
0xa0: {  	s5 =	ssub.s32 $0x0, s20;
	[sflag:s22] =	ssyncset.done $0x0  }
0xa1: {  	[sflag:s22] =	ssyncadd.s32 s5;
	_ =	sdelay $0x1  }
0xa2: {  	s23 =	simm.s32 $0x1B8B  }
0xa3: {  	_ =	swait.ge [sflag:s23], $0x1  }
0xa4: {  	[sflag:s23] =	ssyncset.done $0x0  }
0xa5: {  	s25 =	simm.s32 $0x1B8E;
	s24 =	sld [smem:$0x3FFE];
	[sflag:s23] =	ssyncadd.s32 $0xFFFFFFFF  }
0xa6: {  	s26 =	simm.s32 $execute0_lowered;
	[smem:$0x3FD2] =	sst s25  }
0xa7: {  	s6 =	sshll.u32 s26, $0x1;
	_ =	strace $0x80000046;
	[dreg:$0x1] =	wrdreg $0xFFFFFFFF  }
0xa8: {  	s28 =	simm.s32 $_size_execute0_lowered;
	s4 =	sadd.s32 s4, s6;
	[dreg:$0x0] =	wrdreg $0x0  }
0xa9: {  	s6 =	sshll.u32 s28, $0x1;
	[dreg:$0x2] =	wrdreg s4  }
0xaa: {  	[dreg:$0x3] =	wrdreg s6  }
0xab: {  	[dreg:$0x4] =	wrdreg $0xC0  }
0xac: {  	_ =	task [dreg:s8], $0x5FFFF  }
0xad: {  	[dreg:$0x1] =	wrdreg $0xFFFFFFFF  }
0xae: {  	[dreg:$0x0] =	wrdreg $0x60  }
0xaf: {  	[dreg:$0x2] =	wrdreg s2  }
0xb0: {  	[dreg:$0x3] =	wrdreg s24  }
0xb1: {  	[dreg:$0x4] =	wrdreg s18  }
0xb2: {  	[dreg:$0x5] =	wrdreg $0x9  }
0xb3: {  	_ =	task.clear_ibuf [dreg:s8], $0x6FFFF;
	_ =	strace $0x90000046  }
0xb4: {  	s29 =	simm.s32 $0x9;
	_ =	strace $0x80000048  }
0xb5: {  	_ =	swait.ge [sflag:s29], $0x1  }
0xb6: {  	[sflag:s29] =	ssyncadd.s32 $0xFFFFFFFF  }
0xb7: {  	_ =	strace $0x90000048  }
0xb8: {  	_ =	sfence  }
0xb9: {  	s30 =	sld [smem:$0x0];
	_ =	sdelay $0x2  }
0xba: {  	s31 =	sshll.u32 s1, $0xD;
	s1 =	sshrl.u32 s1, $0x2  }
0xbb: {  	s3 =	sand.u32 $0x4000, s31;
	s1 =	sadd.s32 s1, s30  }
0xbc: {  	s0 =	sor.u32 s3, s0;
	s1 =	sshll.u32 s1, $0x11  }
0xbd: {  	s0 =	sor.u32 s1, s0  }
0xbe: {  	s0 =	sadd.s32 $0x8F2B, s0  }
0xbf: {  	[sflag:s0] =	ssyncadd.remote.s32 $0x1  }
0xc0: {  	_ =	sfence.sel $0xFFFF  }
0xc1: {  	[dreg:$0x0] =	wrdreg $0xFFFFFFFF;
	(pc) =	sbr.abs _section_cstart, $3  }
0xc2: {  	[dreg:$0x1] =	wrdreg $0xFFFFFFFF  }
0xc3: {  	_ =	task.clear_ibuf [dreg:s8], $0x2FFFF;
	_ =	strace $0x9FFFFFFF  }
0xc4: {  	(tm) =	ssettm $0x7FFFFFFF  }
0xc5: {  	_ =	shalt  }
tec
execute0_lowered:
.L_overlay_start_1:
0x0: {  	(tag) =	ssettag $0x1  }
0x1: {  	s4 =	rddreg [dreg:$0x0]  }
0x2: {  	s3 =	rddreg [dreg:$0x1]  }
0x3: {  	s5 =	rddreg [dreg:$0x2]  }
0x4: {  	s0 =	rddreg [dreg:$0x3]  }
0x5: {  	s2 =	simm.s32 $0x0;
	s6 =	srdreg.scid;
	s1 =	stileid.u32  }
0x6: {  	s10 =	simm.s32 $0x80;
	s11 =	simm.s32 $0x1;
	s12 =	simm.s32 $0xC800  }
0x7: {  	s13 =	simm.s32 $0x0;
	[smem:$0x7FF] =	sst s2;
	s6 =	sand.u32 $0x1, s6  }
0x8: {  	s7 =	sshll.u32 s1, $0x1;
	s3 =	sadd.s32 $0x800, s3;
	s8 =	ssub.s32 $0x2, s6  }
0x9: {  	_ =	strace $0x80000047;
	s6 =	sor.u32 s6, s7;
	s31 =	sshrl.u32 s8, $0x1  }
0xa: {  	s9 =	sshll.u32 s6, $0x7;
	s6 =	sshll.u32 s6, $0x4;
	s7 =	ssub.s32 s8, s31  }
0xb: {  	s4 =	sadd.s32 s4, s9;
	s5 =	sadd.s32 s5, s6;
	s8 =	simm.s32 $0x8000  }
0xc: {  	s9 =	simm.s32 $0x2;
	s6 =	smax.u32 s7, $0x1;
	s7 =	simm.s32 $0x400  }
.LBB2_1:
0xd: {  	[tilespmem:s2], [sflag:$0x2] =	stream.strided.gather [hbm4b:s4+s7], $0x6400, s8, s7, $0x38;
	[tilespmem:$0xC880] =	vst v63  }
0xe: {  	_ =	swait.ge [sflag:s9], $0x6400  }
0xf: {  	[sflag:s9] =	ssyncset.done $0x0  }
0x10: {  	s14 =	simm.s32 $0x0;
	s15 =	simm.s32 $0x6400;
	[sflag:s9] =	ssyncadd.s32 $0xFFFF9C00  }
0x11: {  	[tilespmem:s15], [sflag:$0x1] =	stream.indirect.gather [hbm4b:s3+s10], $0x1, s14, s10, $0xb8;
	[tilespmem:$0xC880] =	vst v63  }
0x12: {  	s25 =	simm.s32 $0x6480;
	s26 =	simm.s32 $0x80  }
0x13: {  	[tilespmem:s25], [sflag:$0x1] =	stream.indirect.gather [hbm4b:s3+s10], $0x1, s26, s10, $0xb8;
	[tilespmem:$0xC880] =	vst v63  }
0x14: {  	s28 =	simm.s32 $0x6500;
	s29 =	simm.s32 $0x100  }
0x15: {  	[tilespmem:s28], [sflag:$0x1] =	stream.indirect.gather [hbm4b:s3+s10], $0x1, s29, s10, $0xb8;
	[tilespmem:$0xC880] =	vst v63  }
0x16: {  	s30 =	simm.s32 $0x6580;
	s31 =	simm.s32 $0x180  }
0x17: {  	[tilespmem:s30], [sflag:$0x1] =	stream.indirect.gather [hbm4b:s3+s10], $0x1, s31, s10, $0xb8;
	[tilespmem:$0xC880] =	vst v63  }
0x18: {  	s16 =	simm.s32 $0x200;
	s15 =	simm.s32 $0x6600  }
0x19: {  	[tilespmem:s15], [sflag:$0x1] =	stream.indirect.gather [hbm4b:s3+s10], $0x1, s16, s10, $0xb8;
	[tilespmem:$0xC880] =	vst v63  }
0x1a: {  	s17 =	simm.s32 $0x6680;
	s18 =	simm.s32 $0x280  }
0x1b: {  	[tilespmem:s17], [sflag:$0x1] =	stream.indirect.gather [hbm4b:s3+s10], $0x1, s18, s10, $0xb8;
	[tilespmem:$0xC880] =	vst v63  }
0x1c: {  	s19 =	simm.s32 $0x6700;
	s20 =	simm.s32 $0x300  }
0x1d: {  	[tilespmem:s19], [sflag:$0x1] =	stream.indirect.gather [hbm4b:s3+s10], $0x1, s20, s10, $0xb8;
	[tilespmem:$0xC880] =	vst v63  }
0x1e: {  	s21 =	simm.s32 $0x6780;
	s22 =	simm.s32 $0x380  }
0x1f: {  	[tilespmem:s21], [sflag:$0x1] =	stream.indirect.gather [hbm4b:s3+s10], $0x1, s22, s10, $0xb8;
	[tilespmem:$0xC880] =	vst v63  }
0x20: {  	s23 =	simm.s32 $0x6800;
	s24 =	simm.s32 $0x400  }
0x21: {  	[tilespmem:s23], [sflag:$0x1] =	stream.indirect.gather [hbm4b:s3+s10], $0x1, s24, s10, $0xb8;
	[tilespmem:$0xC880] =	vst v63  }
0x22: {  	s25 =	simm.s32 $0x6880;
	s26 =	simm.s32 $0x480  }
0x23: {  	[tilespmem:s25], [sflag:$0x1] =	stream.indirect.gather [hbm4b:s3+s10], $0x1, s26, s10, $0xb8;
	[tilespmem:$0xC880] =	vst v63  }
0x24: {  	s28 =	simm.s32 $0x6900;
	s29 =	simm.s32 $0x500  }
0x25: {  	[tilespmem:s28], [sflag:$0x1] =	stream.indirect.gather [hbm4b:s3+s10], $0x1, s29, s10, $0xb8;
	[tilespmem:$0xC880] =	vst v63  }
0x26: {  	s30 =	simm.s32 $0x6980;
	s31 =	simm.s32 $0x580  }
0x27: {  	[tilespmem:s30], [sflag:$0x1] =	stream.indirect.gather [hbm4b:s3+s10], $0x1, s31, s10, $0xb8;
	[tilespmem:$0xC880] =	vst v63  }
0x28: {  	s15 =	simm.s32 $0x6A00;
	s16 =	simm.s32 $0x600  }
0x29: {  	[tilespmem:s15], [sflag:$0x1] =	stream.indirect.gather [hbm4b:s3+s10], $0x1, s16, s10, $0xb8;
	[tilespmem:$0xC880] =	vst v63  }
0x2a: {  	s17 =	simm.s32 $0x6A80;
	s18 =	simm.s32 $0x680  }
0x2b: {  	[tilespmem:s17], [sflag:$0x1] =	stream.indirect.gather [hbm4b:s3+s10], $0x1, s18, s10, $0xb8;
	[tilespmem:$0xC880] =	vst v63  }
0x2c: {  	s19 =	simm.s32 $0x6B00;
	s20 =	simm.s32 $0x700  }
0x2d: {  	[tilespmem:s19], [sflag:$0x1] =	stream.indirect.gather [hbm4b:s3+s10], $0x1, s20, s10, $0xb8;
	[tilespmem:$0xC880] =	vst v63  }
0x2e: {  	s21 =	simm.s32 $0x6B80;
	s22 =	simm.s32 $0x780  }
0x2f: {  	[tilespmem:s21], [sflag:$0x1] =	stream.indirect.gather [hbm4b:s3+s10], $0x1, s22, s10, $0xb8;
	[tilespmem:$0xC880] =	vst v63  }
0x30: {  	s23 =	simm.s32 $0x6C00;
	s24 =	simm.s32 $0x800  }
0x31: {  	[tilespmem:s23], [sflag:$0x1] =	stream.indirect.gather [hbm4b:s3+s10], $0x1, s24, s10, $0xb8;
	[tilespmem:$0xC880] =	vst v63  }
0x32: {  	s25 =	simm.s32 $0x6C80;
	s26 =	simm.s32 $0x880  }
0x33: {  	[tilespmem:s25], [sflag:$0x1] =	stream.indirect.gather [hbm4b:s3+s10], $0x1, s26, s10, $0xb8;
	[tilespmem:$0xC880] =	vst v63  }
0x34: {  	s28 =	simm.s32 $0x6D00;
	s29 =	simm.s32 $0x900  }
0x35: {  	[tilespmem:s28], [sflag:$0x1] =	stream.indirect.gather [hbm4b:s3+s10], $0x1, s29, s10, $0xb8;
	[tilespmem:$0xC880] =	vst v63  }
0x36: {  	s30 =	simm.s32 $0x6D80;
	s31 =	simm.s32 $0x980  }
0x37: {  	[tilespmem:s30], [sflag:$0x1] =	stream.indirect.gather [hbm4b:s3+s10], $0x1, s31, s10, $0xb8;
	[tilespmem:$0xC880] =	vst v63  }
0x38: {  	_ =	swait.ge [sflag:s11], $0x80  }
0x39: {  	[sflag:s11] =	ssyncset.done $0x0  }
0x3a: {  	[sflag:s11] =	ssyncadd.s32 $0xFFFFFF80  }
0x3b: {  	_ =	swait.ge [sflag:s11], $0x80  }
0x3c: {  	[sflag:s11] =	ssyncset.done $0x0  }
0x3d: {  	[sflag:s11] =	ssyncadd.s32 $0xFFFFFF80  }
0x3e: {  	_ =	swait.ge [sflag:s11], $0x80  }
0x3f: {  	[sflag:s11] =	ssyncset.done $0x0  }
0x40: {  	[sflag:s11] =	ssyncadd.s32 $0xFFFFFF80  }
0x41: {  	_ =	swait.ge [sflag:s11], $0x80  }
0x42: {  	[sflag:s11] =	ssyncset.done $0x0  }
0x43: {  	[sflag:s11] =	ssyncadd.s32 $0xFFFFFF80  }
0x44: {  	_ =	swait.ge [sflag:s11], $0x80  }
0x45: {  	[sflag:s11] =	ssyncset.done $0x0  }
0x46: {  	[sflag:s11] =	ssyncadd.s32 $0xFFFFFF80  }
0x47: {  	_ =	swait.ge [sflag:s11], $0x80  }
0x48: {  	[sflag:s11] =	ssyncset.done $0x0  }
0x49: {  	[sflag:s11] =	ssyncadd.s32 $0xFFFFFF80  }
0x4a: {  	_ =	swait.ge [sflag:s11], $0x80  }
0x4b: {  	[sflag:s11] =	ssyncset.done $0x0  }
0x4c: {  	[sflag:s11] =	ssyncadd.s32 $0xFFFFFF80  }
0x4d: {  	_ =	swait.ge [sflag:s11], $0x80  }
0x4e: {  	[sflag:s11] =	ssyncset.done $0x0  }
0x4f: {  	[sflag:s11] =	ssyncadd.s32 $0xFFFFFF80  }
0x50: {  	_ =	swait.ge [sflag:s11], $0x80  }
0x51: {  	[sflag:s11] =	ssyncset.done $0x0  }
0x52: {  	[sflag:s11] =	ssyncadd.s32 $0xFFFFFF80  }
0x53: {  	_ =	swait.ge [sflag:s11], $0x80  }
0x54: {  	[sflag:s11] =	ssyncset.done $0x0  }
0x55: {  	[sflag:s11] =	ssyncadd.s32 $0xFFFFFF80  }
0x56: {  	_ =	swait.ge [sflag:s11], $0x80  }
0x57: {  	[sflag:s11] =	ssyncset.done $0x0  }
0x58: {  	[sflag:s11] =	ssyncadd.s32 $0xFFFFFF80  }
0x59: {  	_ =	swait.ge [sflag:s11], $0x80  }
0x5a: {  	[sflag:s11] =	ssyncset.done $0x0  }
0x5b: {  	[sflag:s11] =	ssyncadd.s32 $0xFFFFFF80  }
0x5c: {  	_ =	swait.ge [sflag:s11], $0x80  }
0x5d: {  	[sflag:s11] =	ssyncset.done $0x0  }
0x5e: {  	[sflag:s11] =	ssyncadd.s32 $0xFFFFFF80  }
0x5f: {  	_ =	swait.ge [sflag:s11], $0x80  }
0x60: {  	[sflag:s11] =	ssyncset.done $0x0  }
0x61: {  	[sflag:s11] =	ssyncadd.s32 $0xFFFFFF80  }
0x62: {  	_ =	swait.ge [sflag:s11], $0x80  }
0x63: {  	[sflag:s11] =	ssyncset.done $0x0  }
0x64: {  	[sflag:s11] =	ssyncadd.s32 $0xFFFFFF80  }
0x65: {  	_ =	swait.ge [sflag:s11], $0x80  }
0x66: {  	[sflag:s11] =	ssyncset.done $0x0  }
0x67: {  	[sflag:s11] =	ssyncadd.s32 $0xFFFFFF80  }
0x68: {  	_ =	swait.ge [sflag:s11], $0x80  }
0x69: {  	[sflag:s11] =	ssyncset.done $0x0  }
0x6a: {  	[sflag:s11] =	ssyncadd.s32 $0xFFFFFF80  }
0x6b: {  	_ =	swait.ge [sflag:s11], $0x80  }
0x6c: {  	[sflag:s11] =	ssyncset.done $0x0  }
0x6d: {  	[sflag:s11] =	ssyncadd.s32 $0xFFFFFF80  }
0x6e: {  	_ =	swait.ge [sflag:s11], $0x80  }
0x6f: {  	[sflag:s11] =	ssyncset.done $0x0  }
0x70: {  	[sflag:s11] =	ssyncadd.s32 $0xFFFFFF80  }
0x71: {  	_ =	swait.ge [sflag:s11], $0x80  }
0x72: {  	s16 =	simm.s32 $0xA00;
	s17 =	simm.s32 $0x5000;
	[sflag:s11] =	ssyncset.done $0x0  }
.LBB2_2:
0x73: {  	s18 =	sadd.s32 $0x6400, s16  }
0x74: {  	[sflag:s11] =	ssyncadd.s32 $0xFFFFFF80;
	s15 =	smov.u32 s17;
	s14 =	sadd.s32 $0x2800, s17  }
0x75: {  	[tilespmem:s18], [sflag:$0x1] =	stream.indirect.gather [hbm4b:s3+s10], $0x1, s16, s10, $0xb8;
	[tilespmem:$0xC880] =	vst v63  }
0x76: {  	p0 =	sne.s32 s17, $0x16800;
	s17 =	sadd.s32 $0x6480, s16;
	s18 =	sadd.s32 $0x80, s16  }
0x77: {  	[tilespmem:s17], [sflag:$0x1] =	stream.indirect.gather [hbm4b:s3+s10], $0x1, s18, s10, $0xb8;
	[tilespmem:$0xC880] =	vst v63  }
0x78: {  	s17 =	sadd.s32 $0x6500, s16;
	s18 =	sadd.s32 $0x100, s16  }
0x79: {  	[tilespmem:s17], [sflag:$0x1] =	stream.indirect.gather [hbm4b:s3+s10], $0x1, s18, s10, $0xb8;
	[tilespmem:$0xC880] =	vst v63  }
0x7a: {  	s17 =	sadd.s32 $0x6580, s16;
	s18 =	sadd.s32 $0x180, s16  }
0x7b: {  	[tilespmem:s17], [sflag:$0x1] =	stream.indirect.gather [hbm4b:s3+s10], $0x1, s18, s10, $0xb8;
	[tilespmem:$0xC880] =	vst v63  }
0x7c: {  	s17 =	sadd.s32 $0x6600, s16;
	s18 =	sadd.s32 $0x200, s16  }
0x7d: {  	[tilespmem:s17], [sflag:$0x1] =	stream.indirect.gather [hbm4b:s3+s10], $0x1, s18, s10, $0xb8;
	[tilespmem:$0xC880] =	vst v63  }
0x7e: {  	s17 =	sadd.s32 $0x6680, s16;
	s18 =	sadd.s32 $0x280, s16  }
0x7f: {  	[tilespmem:s17], [sflag:$0x1] =	stream.indirect.gather [hbm4b:s3+s10], $0x1, s18, s10, $0xb8;
	[tilespmem:$0xC880] =	vst v63  }
0x80: {  	s17 =	sadd.s32 $0x6700, s16;
	s18 =	sadd.s32 $0x300, s16  }
0x81: {  	[tilespmem:s17], [sflag:$0x1] =	stream.indirect.gather [hbm4b:s3+s10], $0x1, s18, s10, $0xb8;
	[tilespmem:$0xC880] =	vst v63  }
0x82: {  	s17 =	sadd.s32 $0x6780, s16;
	s18 =	sadd.s32 $0x380, s16  }
0x83: {  	[tilespmem:s17], [sflag:$0x1] =	stream.indirect.gather [hbm4b:s3+s10], $0x1, s18, s10, $0xb8;
	[tilespmem:$0xC880] =	vst v63  }
0x84: {  	s17 =	sadd.s32 $0x6800, s16;
	s18 =	sadd.s32 $0x400, s16  }
0x85: {  	[tilespmem:s17], [sflag:$0x1] =	stream.indirect.gather [hbm4b:s3+s10], $0x1, s18, s10, $0xb8;
	[tilespmem:$0xC880] =	vst v63  }
0x86: {  	s17 =	sadd.s32 $0x6880, s16;
	s18 =	sadd.s32 $0x480, s16  }
0x87: {  	[tilespmem:s17], [sflag:$0x1] =	stream.indirect.gather [hbm4b:s3+s10], $0x1, s18, s10, $0xb8;
	[tilespmem:$0xC880] =	vst v63  }
0x88: {  	s17 =	sadd.s32 $0x6900, s16;
	s18 =	sadd.s32 $0x500, s16  }
0x89: {  	[tilespmem:s17], [sflag:$0x1] =	stream.indirect.gather [hbm4b:s3+s10], $0x1, s18, s10, $0xb8;
	[tilespmem:$0xC880] =	vst v63  }
0x8a: {  	s17 =	sadd.s32 $0x6980, s16;
	s18 =	sadd.s32 $0x580, s16  }
0x8b: {  	[tilespmem:s17], [sflag:$0x1] =	stream.indirect.gather [hbm4b:s3+s10], $0x1, s18, s10, $0xb8;
	[tilespmem:$0xC880] =	vst v63  }
0x8c: {  	s17 =	sadd.s32 $0x6A00, s16;
	s18 =	sadd.s32 $0x600, s16  }
0x8d: {  	[tilespmem:s17], [sflag:$0x1] =	stream.indirect.gather [hbm4b:s3+s10], $0x1, s18, s10, $0xb8;
	[tilespmem:$0xC880] =	vst v63  }
0x8e: {  	s17 =	sadd.s32 $0x6A80, s16;
	s18 =	sadd.s32 $0x680, s16  }
0x8f: {  	[tilespmem:s17], [sflag:$0x1] =	stream.indirect.gather [hbm4b:s3+s10], $0x1, s18, s10, $0xb8;
	[tilespmem:$0xC880] =	vst v63  }
0x90: {  	s17 =	sadd.s32 $0x6B00, s16;
	s18 =	sadd.s32 $0x700, s16  }
0x91: {  	[tilespmem:s17], [sflag:$0x1] =	stream.indirect.gather [hbm4b:s3+s10], $0x1, s18, s10, $0xb8;
	[tilespmem:$0xC880] =	vst v63  }
0x92: {  	s17 =	sadd.s32 $0x6B80, s16;
	s18 =	sadd.s32 $0x780, s16  }
0x93: {  	[tilespmem:s17], [sflag:$0x1] =	stream.indirect.gather [hbm4b:s3+s10], $0x1, s18, s10, $0xb8;
	[tilespmem:$0xC880] =	vst v63  }
0x94: {  	s17 =	sadd.s32 $0x6C00, s16;
	s18 =	sadd.s32 $0x800, s16  }
0x95: {  	[tilespmem:s17], [sflag:$0x1] =	stream.indirect.gather [hbm4b:s3+s10], $0x1, s18, s10, $0xb8;
	[tilespmem:$0xC880] =	vst v63  }
0x96: {  	s17 =	sadd.s32 $0x6C80, s16;
	s18 =	sadd.s32 $0x880, s16  }
0x97: {  	[tilespmem:s17], [sflag:$0x1] =	stream.indirect.gather [hbm4b:s3+s10], $0x1, s18, s10, $0xb8;
	[tilespmem:$0xC880] =	vst v63  }
0x98: {  	s17 =	sadd.s32 $0x6D00, s16;
	s18 =	sadd.s32 $0x900, s16  }
0x99: {  	[tilespmem:s17], [sflag:$0x1] =	stream.indirect.gather [hbm4b:s3+s10], $0x1, s18, s10, $0xb8;
	[tilespmem:$0xC880] =	vst v63  }
0x9a: {  	s17 =	sadd.s32 $0x6D80, s16;
	s16 =	sadd.s32 $0x980, s16  }
0x9b: {  	[tilespmem:s17], [sflag:$0x1] =	stream.indirect.gather [hbm4b:s3+s10], $0x1, s16, s10, $0xb8;
	[tilespmem:$0xC880] =	vst v63  }
0x9c: {  	_ =	swait.ge [sflag:s11], $0x80  }
0x9d: {  	[sflag:s11] =	ssyncset.done $0x0  }
0x9e: {  	[sflag:s11] =	ssyncadd.s32 $0xFFFFFF80  }
0x9f: {  	_ =	swait.ge [sflag:s11], $0x80  }
0xa0: {  	[sflag:s11] =	ssyncset.done $0x0  }
0xa1: {  	[sflag:s11] =	ssyncadd.s32 $0xFFFFFF80  }
0xa2: {  	_ =	swait.ge [sflag:s11], $0x80  }
0xa3: {  	[sflag:s11] =	ssyncset.done $0x0  }
0xa4: {  	[sflag:s11] =	ssyncadd.s32 $0xFFFFFF80  }
0xa5: {  	_ =	swait.ge [sflag:s11], $0x80  }
0xa6: {  	[sflag:s11] =	ssyncset.done $0x0  }
0xa7: {  	[sflag:s11] =	ssyncadd.s32 $0xFFFFFF80  }
0xa8: {  	_ =	swait.ge [sflag:s11], $0x80  }
0xa9: {  	[sflag:s11] =	ssyncset.done $0x0  }
0xaa: {  	[sflag:s11] =	ssyncadd.s32 $0xFFFFFF80  }
0xab: {  	_ =	swait.ge [sflag:s11], $0x80  }
0xac: {  	[sflag:s11] =	ssyncset.done $0x0  }
0xad: {  	[sflag:s11] =	ssyncadd.s32 $0xFFFFFF80  }
0xae: {  	_ =	swait.ge [sflag:s11], $0x80  }
0xaf: {  	[sflag:s11] =	ssyncset.done $0x0  }
0xb0: {  	[sflag:s11] =	ssyncadd.s32 $0xFFFFFF80  }
0xb1: {  	_ =	swait.ge [sflag:s11], $0x80  }
0xb2: {  	[sflag:s11] =	ssyncset.done $0x0  }
0xb3: {  	[sflag:s11] =	ssyncadd.s32 $0xFFFFFF80  }
0xb4: {  	_ =	swait.ge [sflag:s11], $0x80  }
0xb5: {  	[sflag:s11] =	ssyncset.done $0x0  }
0xb6: {  	[sflag:s11] =	ssyncadd.s32 $0xFFFFFF80  }
0xb7: {  	_ =	swait.ge [sflag:s11], $0x80  }
0xb8: {  	[sflag:s11] =	ssyncset.done $0x0  }
0xb9: {  	[sflag:s11] =	ssyncadd.s32 $0xFFFFFF80  }
0xba: {  	_ =	swait.ge [sflag:s11], $0x80  }
0xbb: {  	[sflag:s11] =	ssyncset.done $0x0  }
0xbc: {  	[sflag:s11] =	ssyncadd.s32 $0xFFFFFF80  }
0xbd: {  	_ =	swait.ge [sflag:s11], $0x80  }
0xbe: {  	[sflag:s11] =	ssyncset.done $0x0  }
0xbf: {  	[sflag:s11] =	ssyncadd.s32 $0xFFFFFF80  }
0xc0: {  	_ =	swait.ge [sflag:s11], $0x80  }
0xc1: {  	[sflag:s11] =	ssyncset.done $0x0  }
0xc2: {  	[sflag:s11] =	ssyncadd.s32 $0xFFFFFF80  }
0xc3: {  	_ =	swait.ge [sflag:s11], $0x80  }
0xc4: {  	[sflag:s11] =	ssyncset.done $0x0  }
0xc5: {  	[sflag:s11] =	ssyncadd.s32 $0xFFFFFF80  }
0xc6: {  	_ =	swait.ge [sflag:s11], $0x80  }
0xc7: {  	[sflag:s11] =	ssyncset.done $0x0  }
0xc8: {  	[sflag:s11] =	ssyncadd.s32 $0xFFFFFF80  }
0xc9: {  	_ =	swait.ge [sflag:s11], $0x80  }
0xca: {  	[sflag:s11] =	ssyncset.done $0x0  }
0xcb: {  	[sflag:s11] =	ssyncadd.s32 $0xFFFFFF80  }
0xcc: {  	_ =	swait.ge [sflag:s11], $0x80  }
0xcd: {  	[sflag:s11] =	ssyncset.done $0x0  }
0xce: {  	[sflag:s11] =	ssyncadd.s32 $0xFFFFFF80  }
0xcf: {  	_ =	swait.ge [sflag:s11], $0x80  }
0xd0: {  	[sflag:s11] =	ssyncset.done $0x0  }
0xd1: {  	[sflag:s11] =	ssyncadd.s32 $0xFFFFFF80  }
.Ltmp0:
0xd2: {  	_ =	swait.ge [sflag:s11], $0x80;
	(pc) =	sbr.rel @p0 .LBB2_2-.Ltmp0, $4  }
0xd3: {  	[sflag:s11] =	ssyncset.done $0x0  }
0xd4: {  	[sflag:s11] =	ssyncadd.s32 $0xFFFFFF80  }
0xd5: {  	_ =	swait.ge [sflag:s11], $0x80  }
0xd6: {  	s16 =	sshra.s32 s15, $0x2;
	s17 =	smov.u32 s14;
	[sflag:s11] =	ssyncset.done $0x0  }
0xd7: {  	s14 =	sadd.s32 $0x6400, s16;
	[sflag:s11] =	ssyncadd.s32 $0xFFFFFF80  }
0xd8: {  	[tilespmem:s14], [sflag:$0x1] =	stream.indirect.gather [hbm4b:s3+s10], $0x1, s16, s10, $0xb8;
	[tilespmem:$0xC880] =	vst v63  }
0xd9: {  	s22 =	sadd.s32 $0x6480, s16;
	s15 =	sadd.s32 $0x80, s16  }
0xda: {  	[tilespmem:s22], [sflag:$0x1] =	stream.indirect.gather [hbm4b:s3+s10], $0x1, s15, s10, $0xb8;
	[tilespmem:$0xC880] =	vst v63  }
0xdb: {  	s23 =	sadd.s32 $0x6500, s16;
	s24 =	sadd.s32 $0x100, s16  }
0xdc: {  	[tilespmem:s23], [sflag:$0x1] =	stream.indirect.gather [hbm4b:s3+s10], $0x1, s24, s10, $0xb8;
	[tilespmem:$0xC880] =	vst v63  }
0xdd: {  	s25 =	sadd.s32 $0x6580, s16;
	s26 =	sadd.s32 $0x180, s16  }
0xde: {  	[tilespmem:s25], [sflag:$0x1] =	stream.indirect.gather [hbm4b:s3+s10], $0x1, s26, s10, $0xb8;
	[tilespmem:$0xC880] =	vst v63  }
0xdf: {  	s28 =	sadd.s32 $0x6600, s16;
	s29 =	sadd.s32 $0x200, s16  }
0xe0: {  	[tilespmem:s28], [sflag:$0x1] =	stream.indirect.gather [hbm4b:s3+s10], $0x1, s29, s10, $0xb8;
	[tilespmem:$0xC880] =	vst v63  }
0xe1: {  	s30 =	sadd.s32 $0x6680, s16;
	s31 =	sadd.s32 $0x280, s16  }
0xe2: {  	[tilespmem:s30], [sflag:$0x1] =	stream.indirect.gather [hbm4b:s3+s10], $0x1, s31, s10, $0xb8;
	[tilespmem:$0xC880] =	vst v63  }
0xe3: {  	s17 =	sadd.s32 $0x6700, s16;
	s18 =	sadd.s32 $0x300, s16  }
0xe4: {  	[tilespmem:s17], [sflag:$0x1] =	stream.indirect.gather [hbm4b:s3+s10], $0x1, s18, s10, $0xb8;
	[tilespmem:$0xC880] =	vst v63  }
0xe5: {  	s19 =	sadd.s32 $0x6780, s16;
	s20 =	sadd.s32 $0x380, s16  }
0xe6: {  	[tilespmem:s19], [sflag:$0x1] =	stream.indirect.gather [hbm4b:s3+s10], $0x1, s20, s10, $0xb8;
	[tilespmem:$0xC880] =	vst v63  }
0xe7: {  	s21 =	sadd.s32 $0x6800, s16;
	s22 =	sadd.s32 $0x400, s16  }
0xe8: {  	[tilespmem:s21], [sflag:$0x1] =	stream.indirect.gather [hbm4b:s3+s10], $0x1, s22, s10, $0xb8;
	[tilespmem:$0xC880] =	vst v63  }
0xe9: {  	s23 =	sadd.s32 $0x6880, s16;
	s24 =	sadd.s32 $0x480, s16  }
0xea: {  	[tilespmem:s23], [sflag:$0x1] =	stream.indirect.gather [hbm4b:s3+s10], $0x1, s24, s10, $0xb8;
	[tilespmem:$0xC880] =	vst v63  }
0xeb: {  	s25 =	sadd.s32 $0x6900, s16;
	s26 =	sadd.s32 $0x500, s16  }
0xec: {  	[tilespmem:s25], [sflag:$0x1] =	stream.indirect.gather [hbm4b:s3+s10], $0x1, s26, s10, $0xb8;
	[tilespmem:$0xC880] =	vst v63  }
0xed: {  	s28 =	sadd.s32 $0x6980, s16;
	s29 =	sadd.s32 $0x580, s16  }
0xee: {  	[tilespmem:s28], [sflag:$0x1] =	stream.indirect.gather [hbm4b:s3+s10], $0x1, s29, s10, $0xb8;
	[tilespmem:$0xC880] =	vst v63  }
0xef: {  	s30 =	sadd.s32 $0x6A00, s16;
	s31 =	sadd.s32 $0x600, s16  }
0xf0: {  	[tilespmem:s30], [sflag:$0x1] =	stream.indirect.gather [hbm4b:s3+s10], $0x1, s31, s10, $0xb8;
	[tilespmem:$0xC880] =	vst v63  }
0xf1: {  	s15 =	sadd.s32 $0x6A80, s16;
	s17 =	sadd.s32 $0x680, s16  }
0xf2: {  	[tilespmem:s15], [sflag:$0x1] =	stream.indirect.gather [hbm4b:s3+s10], $0x1, s17, s10, $0xb8;
	[tilespmem:$0xC880] =	vst v63  }
0xf3: {  	s18 =	sadd.s32 $0x6B00, s16;
	s19 =	sadd.s32 $0x700, s16  }
0xf4: {  	[tilespmem:s18], [sflag:$0x1] =	stream.indirect.gather [hbm4b:s3+s10], $0x1, s19, s10, $0xb8;
	[tilespmem:$0xC880] =	vst v63  }
0xf5: {  	s20 =	sadd.s32 $0x6B80, s16;
	s21 =	sadd.s32 $0x780, s16  }
0xf6: {  	[tilespmem:s20], [sflag:$0x1] =	stream.indirect.gather [hbm4b:s3+s10], $0x1, s21, s10, $0xb8;
	[tilespmem:$0xC880] =	vst v63  }
0xf7: {  	s22 =	sadd.s32 $0x6C00, s16;
	s23 =	sadd.s32 $0x800, s16  }
0xf8: {  	[tilespmem:s22], [sflag:$0x1] =	stream.indirect.gather [hbm4b:s3+s10], $0x1, s23, s10, $0xb8;
	[tilespmem:$0xC880] =	vst v63  }
0xf9: {  	s24 =	sadd.s32 $0x6C80, s16;
	s25 =	sadd.s32 $0x880, s16  }
0xfa: {  	[tilespmem:s24], [sflag:$0x1] =	stream.indirect.gather [hbm4b:s3+s10], $0x1, s25, s10, $0xb8;
	[tilespmem:$0xC880] =	vst v63  }
0xfb: {  	s26 =	sadd.s32 $0x6D00, s16;
	s28 =	sadd.s32 $0x900, s16  }
0xfc: {  	[tilespmem:s26], [sflag:$0x1] =	stream.indirect.gather [hbm4b:s3+s10], $0x1, s28, s10, $0xb8;
	[tilespmem:$0xC880] =	vst v63  }
0xfd: {  	s29 =	sadd.s32 $0x6D80, s16;
	s30 =	sadd.s32 $0x980, s16  }
0xfe: {  	[tilespmem:s29], [sflag:$0x1] =	stream.indirect.gather [hbm4b:s3+s10], $0x1, s30, s10, $0xb8;
	[tilespmem:$0xC880] =	vst v63  }
0xff: {  	_ =	swait.ge [sflag:s11], $0x80  }
0x100: {  	[sflag:s11] =	ssyncset.done $0x0  }
0x101: {  	[sflag:s11] =	ssyncadd.s32 $0xFFFFFF80  }
0x102: {  	_ =	swait.ge [sflag:s11], $0x80  }
0x103: {  	[sflag:s11] =	ssyncset.done $0x0  }
0x104: {  	[sflag:s11] =	ssyncadd.s32 $0xFFFFFF80  }
0x105: {  	_ =	swait.ge [sflag:s11], $0x80  }
0x106: {  	[sflag:s11] =	ssyncset.done $0x0  }
0x107: {  	[sflag:s11] =	ssyncadd.s32 $0xFFFFFF80  }
0x108: {  	_ =	swait.ge [sflag:s11], $0x80  }
0x109: {  	[sflag:s11] =	ssyncset.done $0x0  }
0x10a: {  	[sflag:s11] =	ssyncadd.s32 $0xFFFFFF80  }
0x10b: {  	_ =	swait.ge [sflag:s11], $0x80  }
0x10c: {  	[sflag:s11] =	ssyncset.done $0x0  }
0x10d: {  	[sflag:s11] =	ssyncadd.s32 $0xFFFFFF80  }
0x10e: {  	_ =	swait.ge [sflag:s11], $0x80  }
0x10f: {  	[sflag:s11] =	ssyncset.done $0x0  }
0x110: {  	[sflag:s11] =	ssyncadd.s32 $0xFFFFFF80  }
0x111: {  	_ =	swait.ge [sflag:s11], $0x80  }
0x112: {  	[sflag:s11] =	ssyncset.done $0x0  }
0x113: {  	[sflag:s11] =	ssyncadd.s32 $0xFFFFFF80  }
0x114: {  	_ =	swait.ge [sflag:s11], $0x80  }
0x115: {  	[sflag:s11] =	ssyncset.done $0x0  }
0x116: {  	[sflag:s11] =	ssyncadd.s32 $0xFFFFFF80  }
0x117: {  	_ =	swait.ge [sflag:s11], $0x80  }
0x118: {  	[sflag:s11] =	ssyncset.done $0x0  }
0x119: {  	[sflag:s11] =	ssyncadd.s32 $0xFFFFFF80  }
0x11a: {  	_ =	swait.ge [sflag:s11], $0x80  }
0x11b: {  	[sflag:s11] =	ssyncset.done $0x0  }
0x11c: {  	[sflag:s11] =	ssyncadd.s32 $0xFFFFFF80  }
0x11d: {  	_ =	swait.ge [sflag:s11], $0x80  }
0x11e: {  	[sflag:s11] =	ssyncset.done $0x0  }
0x11f: {  	[sflag:s11] =	ssyncadd.s32 $0xFFFFFF80  }
0x120: {  	_ =	swait.ge [sflag:s11], $0x80  }
0x121: {  	[sflag:s11] =	ssyncset.done $0x0  }
0x122: {  	[sflag:s11] =	ssyncadd.s32 $0xFFFFFF80  }
0x123: {  	_ =	swait.ge [sflag:s11], $0x80  }
0x124: {  	[sflag:s11] =	ssyncset.done $0x0  }
0x125: {  	[sflag:s11] =	ssyncadd.s32 $0xFFFFFF80  }
0x126: {  	_ =	swait.ge [sflag:s11], $0x80  }
0x127: {  	[sflag:s11] =	ssyncset.done $0x0  }
0x128: {  	[sflag:s11] =	ssyncadd.s32 $0xFFFFFF80  }
0x129: {  	_ =	swait.ge [sflag:s11], $0x80  }
0x12a: {  	[sflag:s11] =	ssyncset.done $0x0  }
0x12b: {  	[sflag:s11] =	ssyncadd.s32 $0xFFFFFF80  }
0x12c: {  	_ =	swait.ge [sflag:s11], $0x80  }
0x12d: {  	[sflag:s11] =	ssyncset.done $0x0  }
0x12e: {  	[sflag:s11] =	ssyncadd.s32 $0xFFFFFF80  }
0x12f: {  	_ =	swait.ge [sflag:s11], $0x80  }
0x130: {  	[sflag:s11] =	ssyncset.done $0x0  }
0x131: {  	[sflag:s11] =	ssyncadd.s32 $0xFFFFFF80  }
0x132: {  	_ =	swait.ge [sflag:s11], $0x80  }
0x133: {  	[sflag:s11] =	ssyncset.done $0x0  }
0x134: {  	[sflag:s11] =	ssyncadd.s32 $0xFFFFFF80  }
0x135: {  	_ =	swait.ge [sflag:s11], $0x80  }
0x136: {  	[sflag:s11] =	ssyncset.done $0x0  }
0x137: {  	[sflag:s11] =	ssyncadd.s32 $0xFFFFFF80  }
0x138: {  	_ =	swait.ge [sflag:s11], $0x80  }
0x139: {  	[sflag:s11] =	ssyncset.done $0x0  }
0x13a: {  	s31 =	simm.s32 $0x0;
	[sflag:s11] =	ssyncadd.s32 $0xFFFFFF80  }
0x13b: {  	v0 =	vld [tilespmem:s31+$0x6470]  }
0x13c: {  	v2 =	vld [tilespmem:s31+$0x6400]  }
0x13d: {  	v3 =	vld [tilespmem:s31+$0x6410]  }
0x13e: {  	v12 =	vld [tilespmem:s31+$0x6420]  }
0x13f: {  	v10 =	vld [tilespmem:s31+$0x6430]  }
0x140: {  	v1 =	vimm.f32 $0.0e+00;
	v6 =	vimm.f32 $0.0e+00;
	v7 =	vld [tilespmem:s31+$0x6440]  }
0x141: {  	v9 =	vimm.f32 $0.0e+00;
	v8 =	vld [tilespmem:s31+$0x6450];
	v0 =	vadd.f32 v0, v1;
	v5 =	vadd.f32 v2, v1  }
0x142: {  	s14 =	simm.s32 $0x80;
	s15 =	simm.s32 $0x400;
	v11 =	vld [tilespmem:s31+$0x6460];
	v4 =	vadd.f32 v3, v1;
	v3 =	vimm.f32 $0.0e+00;
	v2 =	vimm.f32 $0.0e+00  }
.LBB2_4:
0x143: {  	p0 =	sne.s32 s15, $0x18E00;
	v13 =	vld [tilespmem:s14+$0x6470];
	v1 =	vadd.f32 v12, v1  }
0x144: {  	v14 =	vld [tilespmem:s14+$0x6400];
	v6 =	vadd.f32 v10, v6  }
0x145: {  	v15 =	vld [tilespmem:s14+$0x6410];
	v9 =	vadd.f32 v7, v9  }
.Ltmp1:
0x146: {  	v12 =	vld [tilespmem:s14+$0x6420];
	v3 =	vadd.f32 v8, v3;
	(pc) =	sbr.rel @p0 .LBB2_4-.Ltmp1, $4  }
0x147: {  	v10 =	vld [tilespmem:s14+$0x6430];
	v2 =	vadd.f32 v11, v2  }
0x148: {  	v7 =	vld [tilespmem:s14+$0x6440];
	v0 =	vadd.f32 v13, v0  }
0x149: {  	v5 =	vadd.f32 v14, v5;
	v8 =	vld [tilespmem:s14+$0x6450]  }
0x14a: {  	v4 =	vadd.f32 v15, v4;
	v11 =	vld [tilespmem:s14+$0x6460];
	s14 =	sshra.s32 s15, $0x2;
	s15 =	sadd.s32 $0x200, s15  }
0x14b: {  	v13 =	vld [tilespmem:s14+$0x6400]  }
0x14c: {  	v14 =	vld [tilespmem:s14+$0x6410]  }
0x14d: {  	v15 =	vld [tilespmem:s14+$0x6420]  }
0x14e: {  	v16 =	vld [tilespmem:s14+$0x6430]  }
0x14f: {  	v17 =	vld [tilespmem:s14+$0x6440]  }
0x150: {  	v1 =	vadd.f32 v12, v1;
	v58 =	vld [tilespmem:s14+$0x6450];
	v5 =	vadd.f32 v13, v5  }
0x151: {  	v60 =	vld [tilespmem:s14+$0x6470];
	v6 =	vadd.f32 v10, v6;
	v4 =	vadd.f32 v14, v4  }
0x152: {  	v59 =	vld [tilespmem:s14+$0x6460];
	v7 =	vadd.f32 v7, v9;
	v1 =	vadd.f32 v15, v1;
	v5 =	vmul.f32 $4.999999890e-03, v5  }
0x153: {  	v3 =	vadd.f32 v8, v3;
	v6 =	vadd.f32 v16, v6;
	v4 =	vmul.f32 $4.999999890e-03, v4  }
0x154: {  	v7 =	vadd.f32 v17, v7;
	v1 =	vmul.f32 $4.999999890e-03, v1;
	[tilespmem:$0xC800] =	vst v5  }
0x155: {  	v2 =	vadd.f32 v11, v2;
	v3 =	vadd.f32 v58, v3;
	v61 =	vmul.f32 $4.999999890e-03, v6;
	[tilespmem:$0xC810] =	vst v4  }
0x156: {  	v0 =	vadd.f32 v60, v0;
	v62 =	vmul.f32 $4.999999890e-03, v7;
	[tilespmem:$0xC820] =	vst v1  }
0x157: {  	v2 =	vadd.f32 v59, v2;
	v3 =	vmul.f32 $4.999999890e-03, v3;
	[tilespmem:$0xC830] =	vst v61  }
0x158: {  	v0 =	vmul.f32 $4.999999890e-03, v0;
	[tilespmem:$0xC840] =	vst v62  }
0x159: {  	s13 =	sadd.s32 $0x1, s13;
	v63 =	vmul.f32 $4.999999890e-03, v2;
	[tilespmem:$0xC850] =	vst v3  }
0x15a: {  	p0 =	sne.s32 s13, s6;
	[tilespmem:$0xC870] =	vst v0  }
.Ltmp2:
0x15b: {  	[tilespmem:$0xC860] =	vst v63;
	(pc) =	sbr.rel @p0 .LBB2_1-.Ltmp2, $4  }
0x15c: {  	[hbm4b:s5+s2] =	stream.linear.scatter [tilespmem:s12], [sflag:$0x2], $0x80, $0x38;
	[tilespmem:$0xC880] =	vst v63  }
0x15d: {  	_ =	swait.ge [sflag:s9], $0x80  }
0x15e: {  	[sflag:s9] =	ssyncset.done $0x0  }
0x15f: {  	[sflag:s9] =	ssyncadd.s32 $0xFFFFFF80  }
0x160: {  	_ =	sfence.sel $0x180000  }
0x161: {  	[bflag:$0x0] =	sbarrier.arrive $0xFFFF  }
0x162: {  	p0 =	sne.s32 s1, $0x0;
	_ =	strace $0x90000047  }
0x163: {  	s0 =	sadd.s32 @!p0 $0x100000, s0;
	[bflag:$0x2] =	sbarrier.arrive $0xFFFF  }
0x164: {  	[sflag:s0] =	ssyncadd.tile.s32 @!p0 $0x1;
	_ =	shalt  }
.Lfunc_end2:
_tile_overlayer_lowered:
.L_overlay_start_2:
0x165: {  	(tag) =	ssettag $0x2  }
0x166: {  	s0 =	rddreg [dreg:$0x0];
	s2 =	stileid.u32  }
0x167: {  	s1 =	rddreg [dreg:$0x1];
	p0 =	sne.s32 s2, $0x0  }
0x168: {  	s3 =	rddreg [dreg:$0x2];
	[bflag:$0x3] =	sbarrier.arrive $0xFFFF;
	s2 =	simm.s32 @!p0 $0x1C02  }
0x169: {  	[timem:s3], [sflag:s2] =	dma.local @!p0 [hbm:s0], s1  }
0x16a: {  	s0 =	simm.s32 @!p0 $0x2  }
0x16b: {  	_ =	swait.ge @!p0 [sflag:s0], s1  }
0x16c: {  	s1 =	ssub.s32 @!p0 $0x0, s1;
	[sflag:s0] =	ssyncset.done @!p0 $0x0  }
0x16d: {  	[sflag:s0] =	ssyncadd.s32 @!p0 s1  }
0x16e: {  	[bflag:$0x3] =	sbarrier.arrive $0xFFFF  }
0x16f: {  	_ =	shalt  }

</sc_bundles>
